<compile_context>
chip_gen: v7x
topology: tpu7x:2x2x1
jax: 0.10.2.dev20260603
libtpu: 0.0.44.dev20260713+nightly
codegen_flags: <defaults>
</compile_context>

<pallas_src>
import functools

import jax
import jax.numpy as jnp
from jax import lax
from jax.experimental import pallas as pl
from jax.experimental.pallas import tpu as pltpu
from jax.experimental.pallas import tpu_sc as plsc

_B, _H, _W = 32, 512, 512
_ROWS = _B * _H
_NLBL = _B * _H * _W
_SCALE = 1.0 / float(_NLBL)

_NW = 32
_ROWS_PER_W = _ROWS // _NW
_CR = 16
_STEPS = _ROWS_PER_W // _CR
_GROUPS = _W // 16

_mesh = plsc.VectorSubcoreMesh(core_axis_name="c", subcore_axis_name="s")


@functools.partial(
    pl.kernel,
    mesh=_mesh,
    out_type=jax.ShapeDtypeStruct((_NW, 16), jnp.float32),
    scratch_types=[
        pltpu.VMEM((_CR, 2 * _W), jnp.float32),
        pltpu.VMEM((_CR, 2 * _W), jnp.float32),
        pltpu.VMEM((_CR, _W), jnp.float32),
        pltpu.VMEM((_CR, _W), jnp.float32),
        pltpu.VMEM((_CR, _W), jnp.float32),
        pltpu.VMEM((_CR, _W), jnp.float32),
        pltpu.VMEM((16,), jnp.float32),
        pltpu.SemaphoreType.DMA,
        pltpu.SemaphoreType.DMA,
        pltpu.SemaphoreType.DMA,
        pltpu.SemaphoreType.DMA,
        pltpu.SemaphoreType.DMA,
        pltpu.SemaphoreType.DMA,
    ],
    compiler_params=pltpu.CompilerParams(needs_layout_passes=False),
)
def _sc_partial(pred_hbm, reg_hbm, aff_hbm, out_hbm,
                pv0, pv1, rv0, rv1, av0, av1, accv,
                sp0, sp1, sr0, sr1, sa0, sa1):
    wid = lax.axis_index("s") * 2 + lax.axis_index("c")
    rbase = wid * _ROWS_PER_W
    lane2 = lax.iota(jnp.int32, 16) * 2
    _UNROLL = 8

    def start(row0, pv, rv, av, sp, sr, sa):
        pltpu.async_copy(pred_hbm.at[pl.ds(row0, _CR), :], pv, sp)
        pltpu.async_copy(reg_hbm.at[pl.ds(row0, _CR), :], rv, sr)
        pltpu.async_copy(aff_hbm.at[pl.ds(row0, _CR), :], av, sa)

    def wait(row0, pv, rv, av, sp, sr, sa):
        pltpu.make_async_copy(pred_hbm.at[pl.ds(row0, _CR), :], pv, sp).wait()
        pltpu.make_async_copy(reg_hbm.at[pl.ds(row0, _CR), :], rv, sr).wait()
        pltpu.make_async_copy(aff_hbm.at[pl.ds(row0, _CR), :], av, sa).wait()

    def compute(pv, rv, av, acc):
        def row_body(r, acc_r):
            row_splat = jnp.full((16,), r, jnp.int32)

            def blk(b, acc_b):
                accs = list(acc_b)
                for j in range(_UNROLL):
                    col = lane2 + (b * (32 * _UNROLL) + 32 * j)
                    p0 = plsc.load_gather(pv, [row_splat, col])
                    p1 = plsc.load_gather(pv, [row_splat, col + 1])
                    rr = rv[r, pl.ds(b * (16 * _UNROLL) + j * 16, 16)]
                    aa = av[r, pl.ds(b * (16 * _UNROLL) + j * 16, 16)]
                    d0 = p0 - rr
                    d1 = p1 - aa
                    accs[j % 8] = accs[j % 8] + d0 * d0 + d1 * d1
                return tuple(accs)

            return lax.fori_loop(0, _GROUPS // _UNROLL, blk, acc_r)

        return lax.fori_loop(0, _CR, row_body, acc)

    buf0 = (pv0, rv0, av0, sp0, sr0, sa0)
    buf1 = (pv1, rv1, av1, sp1, sr1, sa1)
    start(rbase, *buf0)
    start(rbase + _CR, *buf1)

    def pair_body(j, acc):
        row0 = rbase + (2 * j) * _CR
        wait(row0, *buf0)
        acc = compute(pv0, rv0, av0, acc)

        @pl.when(j < _STEPS // 2 - 1)
        def _():
            start(row0 + 2 * _CR, *buf0)

        row1 = row0 + _CR
        wait(row1, *buf1)
        acc = compute(pv1, rv1, av1, acc)

        @pl.when(j < _STEPS // 2 - 1)
        def _():
            start(row1 + 2 * _CR, *buf1)

        return acc

    zero = jnp.zeros(16, jnp.float32)
    acc = lax.fori_loop(0, _STEPS // 2, pair_body, (zero,) * 8)
    a = [acc[i] + acc[i + 4] for i in range(4)]
    accv[...] = (a[0] + a[1]) + (a[2] + a[3])
    pltpu.sync_copy(accv, out_hbm.at[wid])


def kernel(predicts, region_label, affinity_label):
    pred2d = predicts.reshape(_ROWS, 2 * _W)
    reg2d = region_label.reshape(_ROWS, _W)
    aff2d = affinity_label.reshape(_ROWS, _W)
    parts = _sc_partial(pred2d, reg2d, aff2d)
    return jnp.sum(parts) * jnp.float32(_SCALE)

# --- scband reference (transcript-rebuilt; emitter-appended) ---
"""Pipeline reference for scband-ohemloss-79061757985025 (READ-ONLY COPY).

The authoritative reference and input builder live on the scoring server;
editing this copy changes nothing except your own understanding.
"""

import jax, jax.numpy as jnp
import numpy as np

K_RATIO = 3

def _forward_once(scores, labels, k_ratio=K_RATIO):
    # scores, labels: [B, H, W]
    B = scores.shape[0]
    losses = []
    for i in range(B):
        p = scores[i].reshape(-1)
        t = labels[i].reshape(-1).astype(jnp.float32)
        # nn.MSELoss(reduction='none')
        base = (p - t) ** 2
        # FC.positive_mask_loss(base, t, thresh=0): losses at positions target > 0
        pos_mask = t > 0.0
        neg_mask = jnp.logical_not(pos_mask)
        num_pos = jnp.sum(pos_mask.astype(jnp.int32))
        pos_mean = jnp.sum(jnp.where(pos_mask, base, 0.0)) / jnp.maximum(num_pos, 1).astype(base.dtype)
        # num_all = target_flat.size(0); target_flat has shape [1, HW] -> size(0) == 1 (faithful to original)
        num_all = 1
        k = num_pos * k_ratio
        k = jnp.where(num_all < k + num_pos, num_all - num_pos, k)
        # negative losses, padded with -1.0 (MSE losses are >= 0, so padding never enters a valid top-k)
        neg_vals = jnp.where(neg_mask, base, -1.0)
        sorted_neg = jnp.sort(neg_vals)[::-1]
        sel = jnp.arange(sorted_neg.shape[0]) < k
        topk_mean = jnp.sum(jnp.where(sel, sorted_neg, 0.0)) / jnp.maximum(k, 1).astype(base.dtype)
        ohem = pos_mean + topk_mean
        avg_loss = jnp.where(k < 10, jnp.mean(base), ohem)
        losses.append(avg_loss)
    return jnp.mean(jnp.stack(losses, 0))


def setup_inputs(seed: int = 0) -> dict:
    key = jax.random.key(seed)
    k1, k2, k3 = jax.random.split(key, 3)
    predicts = jax.random.normal(k1, (32, 512, 512, 2), dtype=jnp.float32)
    region_label = jax.random.normal(k2, (32, 512, 512), dtype=jnp.float32)
    affinity_label = jax.random.normal(k3, (32, 512, 512), dtype=jnp.float32)
    return {"predicts": predicts, "region_label": region_label, "affinity_label": affinity_label}


def reference(predicts, region_label, affinity_label):
    region_score = predicts[:, :, :, 0]
    affinity_score = predicts[:, :, :, 1]
    region_loss = _forward_once(region_score, region_label)
    affinity_loss = _forward_once(affinity_score, affinity_label)
    return region_loss + affinity_loss

if __name__ == "__main__":
    import jax
    _d = setup_inputs()
    print(jax.jit(kernel)(*tuple(_d.values())))

</pallas_src>

<mosaic_0001>
#map = affine_map<(d0, d1) -> (0, 0)>
module attributes {stable_mosaic.version = 14 : i64} {
  func.func @_sc_partial(%arg0: i32, %arg1: i32, %arg2: memref<16384x1024xf32, #tpu.memory_space<hbm>>, %arg3: memref<16384x512xf32, #tpu.memory_space<hbm>>, %arg4: memref<16384x512xf32, #tpu.memory_space<hbm>>, %arg5: memref<32x16xf32, #tpu.memory_space<hbm>>, %arg6: memref<16x1024xf32, #tpu.memory_space<vmem>>, %arg7: memref<16x1024xf32, #tpu.memory_space<vmem>>, %arg8: memref<16x512xf32, #tpu.memory_space<vmem>>, %arg9: memref<16x512xf32, #tpu.memory_space<vmem>>, %arg10: memref<16x512xf32, #tpu.memory_space<vmem>>, %arg11: memref<16x512xf32, #tpu.memory_space<vmem>>, %arg12: memref<16xf32, #tpu.memory_space<vmem>>, %arg13: memref<!tpu.dma_semaphore, #tpu.memory_space<semaphore_mem>>, %arg14: memref<!tpu.dma_semaphore, #tpu.memory_space<semaphore_mem>>, %arg15: memref<!tpu.dma_semaphore, #tpu.memory_space<semaphore_mem>>, %arg16: memref<!tpu.dma_semaphore, #tpu.memory_space<semaphore_mem>>, %arg17: memref<!tpu.dma_semaphore, #tpu.memory_space<semaphore_mem>>, %arg18: memref<!tpu.dma_semaphore, #tpu.memory_space<semaphore_mem>>) attributes {dimension_semantics = [#tpu.dimension_semantics<core_parallel>, #tpu.dimension_semantics<subcore_parallel>], iteration_bounds = array<i64: 2, 16>, scalar_prefetch = 0 : i64, scratch_operands = 13 : i64, tpu.core_type = #tpu.core_type<sc_vector_subcore>, window_params = [{transform_indices = #map}, {transform_indices = #map}, {transform_indices = #map}, {transform_indices = #map}]} {
    %mul3A = arith.constant 2 : i32
    %mul3A_0 = arith.muli %arg1, %mul3A : i32
    %add3A = arith.addi %mul3A_0, %arg0 : i32
    %mul3A_1 = arith.constant 512 : i32
    %mul3A_2 = arith.muli %add3A, %mul3A_1 : i32
    %iota3A = tpu.iota {dimensions = array<i32: 0>} : vector<16xi32>
    %mul3A_3 = arith.constant 2 : i32
    %mul3A_4 = vector.broadcast %mul3A_3 : i32 to vector<16xi32>
    %mul3A_5 = arith.muli %iota3A, %mul3A_4 : vector<16xi32>
    %dma_start3A = arith.constant 0 : i32
    %dma_start3A_6 = tpu.memref_slice %arg2[%mul3A_2, %dma_start3A] : memref<16384x1024xf32, #tpu.memory_space<hbm>> -> memref<16x1024xf32, #tpu.memory_space<hbm>>
    %dma_start3A_7 = arith.constant 0 : i32
    %dma_start3A_8 = tpu.memref_slice %arg2[%mul3A_2, %dma_start3A_7] : memref<16384x1024xf32, #tpu.memory_space<hbm>> -> memref<16x1024xf32, #tpu.memory_space<hbm>>
    tpu.enqueue_dma source(%dma_start3A_8 : memref<16x1024xf32, #tpu.memory_space<hbm>>) target(%arg6 : memref<16x1024xf32, #tpu.memory_space<vmem>>) target_semaphore(%arg13 : memref<!tpu.dma_semaphore, #tpu.memory_space<semaphore_mem>>)
    %dma_start3A_9 = arith.constant 0 : i32
    %dma_start3A_10 = tpu.memref_slice %arg3[%mul3A_2, %dma_start3A_9] : memref<16384x512xf32, #tpu.memory_space<hbm>> -> memref<16x512xf32, #tpu.memory_space<hbm>>
    %dma_start3A_11 = arith.constant 0 : i32
    %dma_start3A_12 = tpu.memref_slice %arg3[%mul3A_2, %dma_start3A_11] : memref<16384x512xf32, #tpu.memory_space<hbm>> -> memref<16x512xf32, #tpu.memory_space<hbm>>
    tpu.enqueue_dma source(%dma_start3A_12 : memref<16x512xf32, #tpu.memory_space<hbm>>) target(%arg8 : memref<16x512xf32, #tpu.memory_space<vmem>>) target_semaphore(%arg15 : memref<!tpu.dma_semaphore, #tpu.memory_space<semaphore_mem>>)
    %dma_start3A_13 = arith.constant 0 : i32
    %dma_start3A_14 = tpu.memref_slice %arg4[%mul3A_2, %dma_start3A_13] : memref<16384x512xf32, #tpu.memory_space<hbm>> -> memref<16x512xf32, #tpu.memory_space<hbm>>
    %dma_start3A_15 = arith.constant 0 : i32
    %dma_start3A_16 = tpu.memref_slice %arg4[%mul3A_2, %dma_start3A_15] : memref<16384x512xf32, #tpu.memory_space<hbm>> -> memref<16x512xf32, #tpu.memory_space<hbm>>
    tpu.enqueue_dma source(%dma_start3A_16 : memref<16x512xf32, #tpu.memory_space<hbm>>) target(%arg10 : memref<16x512xf32, #tpu.memory_space<vmem>>) target_semaphore(%arg17 : memref<!tpu.dma_semaphore, #tpu.memory_space<semaphore_mem>>)
    %add3A_17 = arith.constant 16 : i32
    %add3A_18 = arith.addi %mul3A_2, %add3A_17 : i32
    %dma_start3A_19 = arith.constant 0 : i32
    %dma_start3A_20 = tpu.memref_slice %arg2[%add3A_18, %dma_start3A_19] : memref<16384x1024xf32, #tpu.memory_space<hbm>> -> memref<16x1024xf32, #tpu.memory_space<hbm>>
    %dma_start3A_21 = arith.constant 0 : i32
    %dma_start3A_22 = tpu.memref_slice %arg2[%add3A_18, %dma_start3A_21] : memref<16384x1024xf32, #tpu.memory_space<hbm>> -> memref<16x1024xf32, #tpu.memory_space<hbm>>
    tpu.enqueue_dma source(%dma_start3A_22 : memref<16x1024xf32, #tpu.memory_space<hbm>>) target(%arg7 : memref<16x1024xf32, #tpu.memory_space<vmem>>) target_semaphore(%arg14 : memref<!tpu.dma_semaphore, #tpu.memory_space<semaphore_mem>>)
    %dma_start3A_23 = arith.constant 0 : i32
    %dma_start3A_24 = tpu.memref_slice %arg3[%add3A_18, %dma_start3A_23] : memref<16384x512xf32, #tpu.memory_space<hbm>> -> memref<16x512xf32, #tpu.memory_space<hbm>>
    %dma_start3A_25 = arith.constant 0 : i32
    %dma_start3A_26 = tpu.memref_slice %arg3[%add3A_18, %dma_start3A_25] : memref<16384x512xf32, #tpu.memory_space<hbm>> -> memref<16x512xf32, #tpu.memory_space<hbm>>
    tpu.enqueue_dma source(%dma_start3A_26 : memref<16x512xf32, #tpu.memory_space<hbm>>) target(%arg9 : memref<16x512xf32, #tpu.memory_space<vmem>>) target_semaphore(%arg16 : memref<!tpu.dma_semaphore, #tpu.memory_space<semaphore_mem>>)
    %dma_start3A_27 = arith.constant 0 : i32
    %dma_start3A_28 = tpu.memref_slice %arg4[%add3A_18, %dma_start3A_27] : memref<16384x512xf32, #tpu.memory_space<hbm>> -> memref<16x512xf32, #tpu.memory_space<hbm>>
    %dma_start3A_29 = arith.constant 0 : i32
    %dma_start3A_30 = tpu.memref_slice %arg4[%add3A_18, %dma_start3A_29] : memref<16384x512xf32, #tpu.memory_space<hbm>> -> memref<16x512xf32, #tpu.memory_space<hbm>>
    tpu.enqueue_dma source(%dma_start3A_30 : memref<16x512xf32, #tpu.memory_space<hbm>>) target(%arg11 : memref<16x512xf32, #tpu.memory_space<vmem>>) target_semaphore(%arg18 : memref<!tpu.dma_semaphore, #tpu.memory_space<semaphore_mem>>)
    %broadcast_in_dim3A = arith.constant 0.000000e+00 : f32
    %broadcast_in_dim3A_31 = vector.broadcast %broadcast_in_dim3A : f32 to vector<16xf32>
    %scan3A = arith.constant 0 : i32
    %scan3A_32 = arith.constant 16 : i32
    %scan3A_33 = arith.addi %scan3A, %scan3A_32 : i32
    %scan3A_34 = arith.constant 1 : i32
    %scan3A_35:8 = scf.for %scan3A_45 = %scan3A to %scan3A_33 step %scan3A_34 iter_args(%scan3A_46 = %broadcast_in_dim3A_31, %scan3A_47 = %broadcast_in_dim3A_31, %scan3A_48 = %broadcast_in_dim3A_31, %scan3A_49 = %broadcast_in_dim3A_31, %scan3A_50 = %broadcast_in_dim3A_31, %scan3A_51 = %broadcast_in_dim3A_31, %scan3A_52 = %broadcast_in_dim3A_31, %scan3A_53 = %broadcast_in_dim3A_31) -> (vector<16xf32>, vector<16xf32>, vector<16xf32>, vector<16xf32>, vector<16xf32>, vector<16xf32>, vector<16xf32>, vector<16xf32>)  : i32 {
      %mul3A_54 = arith.constant 2 : i32
      %mul3A_55 = arith.muli %mul3A_54, %scan3A_45 : i32
      %mul3A_56 = arith.constant 16 : i32
      %mul3A_57 = arith.muli %mul3A_55, %mul3A_56 : i32
      %add3A_58 = arith.addi %mul3A_2, %mul3A_57 : i32
      %dma_wait3A = arith.constant 0 : i32
      %dma_wait3A_59 = tpu.memref_slice %arg2[%add3A_58, %dma_wait3A] : memref<16384x1024xf32, #tpu.memory_space<hbm>> -> memref<16x1024xf32, #tpu.memory_space<hbm>>
      %dma_wait3A_60 = arith.constant 0 : i32
      %dma_wait3A_61 = tpu.memref_slice %arg2[%add3A_58, %dma_wait3A_60] : memref<16384x1024xf32, #tpu.memory_space<hbm>> -> memref<16x1024xf32, #tpu.memory_space<hbm>>
      tpu.wait_dma2 semaphore(%arg13 : memref<!tpu.dma_semaphore, #tpu.memory_space<semaphore_mem>>) src(%dma_wait3A_61 : memref<16x1024xf32, #tpu.memory_space<hbm>>) dst(%arg6 : memref<16x1024xf32, #tpu.memory_space<vmem>>)
      %dma_wait3A_62 = arith.constant 0 : i32
      %dma_wait3A_63 = tpu.memref_slice %arg3[%add3A_58, %dma_wait3A_62] : memref<16384x512xf32, #tpu.memory_space<hbm>> -> memref<16x512xf32, #tpu.memory_space<hbm>>
      %dma_wait3A_64 = arith.constant 0 : i32
      %dma_wait3A_65 = tpu.memref_slice %arg3[%add3A_58, %dma_wait3A_64] : memref<16384x512xf32, #tpu.memory_space<hbm>> -> memref<16x512xf32, #tpu.memory_space<hbm>>
      tpu.wait_dma2 semaphore(%arg15 : memref<!tpu.dma_semaphore, #tpu.memory_space<semaphore_mem>>) src(%dma_wait3A_65 : memref<16x512xf32, #tpu.memory_space<hbm>>) dst(%arg8 : memref<16x512xf32, #tpu.memory_space<vmem>>)
      %dma_wait3A_66 = arith.constant 0 : i32
      %dma_wait3A_67 = tpu.memref_slice %arg4[%add3A_58, %dma_wait3A_66] : memref<16384x512xf32, #tpu.memory_space<hbm>> -> memref<16x512xf32, #tpu.memory_space<hbm>>
      %dma_wait3A_68 = arith.constant 0 : i32
      %dma_wait3A_69 = tpu.memref_slice %arg4[%add3A_58, %dma_wait3A_68] : memref<16384x512xf32, #tpu.memory_space<hbm>> -> memref<16x512xf32, #tpu.memory_space<hbm>>
      tpu.wait_dma2 semaphore(%arg17 : memref<!tpu.dma_semaphore, #tpu.memory_space<semaphore_mem>>) src(%dma_wait3A_69 : memref<16x512xf32, #tpu.memory_space<hbm>>) dst(%arg10 : memref<16x512xf32, #tpu.memory_space<vmem>>)
      %scan3A_70 = arith.constant 0 : i32
      %scan3A_71 = arith.constant 16 : i32
      %scan3A_72 = arith.addi %scan3A_70, %scan3A_71 : i32
      %scan3A_73 = arith.constant 1 : i32
      %scan3A_74:8 = scf.for %scan3A_103 = %scan3A_70 to %scan3A_72 step %scan3A_73 iter_args(%scan3A_104 = %scan3A_46, %scan3A_105 = %scan3A_47, %scan3A_106 = %scan3A_48, %scan3A_107 = %scan3A_49, %scan3A_108 = %scan3A_50, %scan3A_109 = %scan3A_51, %scan3A_110 = %scan3A_52, %scan3A_111 = %scan3A_53) -> (vector<16xf32>, vector<16xf32>, vector<16xf32>, vector<16xf32>, vector<16xf32>, vector<16xf32>, vector<16xf32>, vector<16xf32>)  : i32 {
        %broadcast_in_dim3A_112 = vector.broadcast %scan3A_103 : i32 to vector<16xi32>
        %scan3A_113 = arith.constant 0 : i32
        %scan3A_114 = arith.constant 4 : i32
        %scan3A_115 = arith.addi %scan3A_113, %scan3A_114 : i32
        %scan3A_116 = arith.constant 1 : i32
        %scan3A_117:8 = scf.for %scan3A_119 = %scan3A_113 to %scan3A_115 step %scan3A_116 iter_args(%scan3A_120 = %scan3A_104, %scan3A_121 = %scan3A_105, %scan3A_122 = %scan3A_106, %scan3A_123 = %scan3A_107, %scan3A_124 = %scan3A_108, %scan3A_125 = %scan3A_109, %scan3A_126 = %scan3A_110, %scan3A_127 = %scan3A_111) -> (vector<16xf32>, vector<16xf32>, vector<16xf32>, vector<16xf32>, vector<16xf32>, vector<16xf32>, vector<16xf32>, vector<16xf32>)  : i32 {
          %mul3A_128 = arith.constant 256 : i32
          %mul3A_129 = arith.muli %scan3A_119, %mul3A_128 : i32
          %add3A_130 = arith.constant 0 : i32
          %add3A_131 = arith.addi %mul3A_129, %add3A_130 : i32
          %add3A_132 = vector.broadcast %add3A_131 : i32 to vector<16xi32>
          %add3A_133 = arith.addi %mul3A_5, %add3A_132 : vector<16xi32>
          %gather3A = tpu.vector_load_idx %arg6[%broadcast_in_dim3A_112, %add3A_133] : memref<16x1024xf32, #tpu.memory_space<vmem>>[vector<16xi32>, vector<16xi32>], vector<16xf32>,
          %add3A_134 = arith.constant 1 : i32
          %add3A_135 = vector.broadcast %add3A_134 : i32 to vector<16xi32>
          %add3A_136 = arith.addi %add3A_133, %add3A_135 : vector<16xi32>
          %gather3A_137 = tpu.vector_load_idx %arg6[%broadcast_in_dim3A_112, %add3A_136] : memref<16x1024xf32, #tpu.memory_space<vmem>>[vector<16xi32>, vector<16xi32>], vector<16xf32>,
          %mul3A_138 = arith.constant 128 : i32
          %mul3A_139 = arith.muli %scan3A_119, %mul3A_138 : i32
          %add3A_140 = arith.constant 0 : i32
          %add3A_141 = arith.addi %mul3A_139, %add3A_140 : i32
          %get3A = arith.index_cast %scan3A_103 : i32 to index
          %get3A_142 = arith.index_cast %add3A_141 : i32 to index
          %get3A_143 = tpu.vector_load %arg8[%get3A, %get3A_142] {strides = array<i32>} : memref<16x512xf32, #tpu.memory_space<vmem>>, vector<16xf32>,
          %mul3A_144 = arith.constant 128 : i32
          %mul3A_145 = arith.muli %scan3A_119, %mul3A_144 : i32
          %add3A_146 = arith.constant 0 : i32
          %add3A_147 = arith.addi %mul3A_145, %add3A_146 : i32
          %get3A_148 = arith.index_cast %scan3A_103 : i32 to index
          %get3A_149 = arith.index_cast %add3A_147 : i32 to index
          %get3A_150 = tpu.vector_load %arg10[%get3A_148, %get3A_149] {strides = array<i32>} : memref<16x512xf32, #tpu.memory_space<vmem>>, vector<16xf32>,
          %sub3A = arith.subf %gather3A, %get3A_143 : vector<16xf32>
          %sub3A_151 = arith.subf %gather3A_137, %get3A_150 : vector<16xf32>
          %mul3A_152 = arith.mulf %sub3A, %sub3A : vector<16xf32>
          %add3A_153 = arith.addf %scan3A_120, %mul3A_152 : vector<16xf32>
          %mul3A_154 = arith.mulf %sub3A_151, %sub3A_151 : vector<16xf32>
          %add3A_155 = arith.addf %add3A_153, %mul3A_154 : vector<16xf32>
          %mul3A_156 = arith.constant 256 : i32
          %mul3A_157 = arith.muli %scan3A_119, %mul3A_156 : i32
          %add3A_158 = arith.constant 32 : i32
          %add3A_159 = arith.addi %mul3A_157, %add3A_158 : i32
          %add3A_160 = vector.broadcast %add3A_159 : i32 to vector<16xi32>
          %add3A_161 = arith.addi %mul3A_5, %add3A_160 : vector<16xi32>
          %gather3A_162 = tpu.vector_load_idx %arg6[%broadcast_in_dim3A_112, %add3A_161] : memref<16x1024xf32, #tpu.memory_space<vmem>>[vector<16xi32>, vector<16xi32>], vector<16xf32>,
          %add3A_163 = arith.constant 1 : i32
          %add3A_164 = vector.broadcast %add3A_163 : i32 to vector<16xi32>
          %add3A_165 = arith.addi %add3A_161, %add3A_164 : vector<16xi32>
          %gather3A_166 = tpu.vector_load_idx %arg6[%broadcast_in_dim3A_112, %add3A_165] : memref<16x1024xf32, #tpu.memory_space<vmem>>[vector<16xi32>, vector<16xi32>], vector<16xf32>,
          %mul3A_167 = arith.constant 128 : i32
          %mul3A_168 = arith.muli %scan3A_119, %mul3A_167 : i32
          %add3A_169 = arith.constant 16 : i32
          %add3A_170 = arith.addi %mul3A_168, %add3A_169 : i32
          %get3A_171 = arith.index_cast %scan3A_103 : i32 to index
          %get3A_172 = arith.index_cast %add3A_170 : i32 to index
          %get3A_173 = tpu.vector_load %arg8[%get3A_171, %get3A_172] {strides = array<i32>} : memref<16x512xf32, #tpu.memory_space<vmem>>, vector<16xf32>,
          %mul3A_174 = arith.constant 128 : i32
          %mul3A_175 = arith.muli %scan3A_119, %mul3A_174 : i32
          %add3A_176 = arith.constant 16 : i32
          %add3A_177 = arith.addi %mul3A_175, %add3A_176 : i32
          %get3A_178 = arith.index_cast %scan3A_103 : i32 to index
          %get3A_179 = arith.index_cast %add3A_177 : i32 to index
          %get3A_180 = tpu.vector_load %arg10[%get3A_178, %get3A_179] {strides = array<i32>} : memref<16x512xf32, #tpu.memory_space<vmem>>, vector<16xf32>,
          %sub3A_181 = arith.subf %gather3A_162, %get3A_173 : vector<16xf32>
          %sub3A_182 = arith.subf %gather3A_166, %get3A_180 : vector<16xf32>
          %mul3A_183 = arith.mulf %sub3A_181, %sub3A_181 : vector<16xf32>
          %add3A_184 = arith.addf %scan3A_121, %mul3A_183 : vector<16xf32>
          %mul3A_185 = arith.mulf %sub3A_182, %sub3A_182 : vector<16xf32>
          %add3A_186 = arith.addf %add3A_184, %mul3A_185 : vector<16xf32>
          %mul3A_187 = arith.constant 256 : i32
          %mul3A_188 = arith.muli %scan3A_119, %mul3A_187 : i32
          %add3A_189 = arith.constant 64 : i32
          %add3A_190 = arith.addi %mul3A_188, %add3A_189 : i32
          %add3A_191 = vector.broadcast %add3A_190 : i32 to vector<16xi32>
          %add3A_192 = arith.addi %mul3A_5, %add3A_191 : vector<16xi32>
          %gather3A_193 = tpu.vector_load_idx %arg6[%broadcast_in_dim3A_112, %add3A_192] : memref<16x1024xf32, #tpu.memory_space<vmem>>[vector<16xi32>, vector<16xi32>], vector<16xf32>,
          %add3A_194 = arith.constant 1 : i32
          %add3A_195 = vector.broadcast %add3A_194 : i32 to vector<16xi32>
          %add3A_196 = arith.addi %add3A_192, %add3A_195 : vector<16xi32>
          %gather3A_197 = tpu.vector_load_idx %arg6[%broadcast_in_dim3A_112, %add3A_196] : memref<16x1024xf32, #tpu.memory_space<vmem>>[vector<16xi32>, vector<16xi32>], vector<16xf32>,
          %mul3A_198 = arith.constant 128 : i32
          %mul3A_199 = arith.muli %scan3A_119, %mul3A_198 : i32
          %add3A_200 = arith.constant 32 : i32
          %add3A_201 = arith.addi %mul3A_199, %add3A_200 : i32
          %get3A_202 = arith.index_cast %scan3A_103 : i32 to index
          %get3A_203 = arith.index_cast %add3A_201 : i32 to index
          %get3A_204 = tpu.vector_load %arg8[%get3A_202, %get3A_203] {strides = array<i32>} : memref<16x512xf32, #tpu.memory_space<vmem>>, vector<16xf32>,
          %mul3A_205 = arith.constant 128 : i32
          %mul3A_206 = arith.muli %scan3A_119, %mul3A_205 : i32
          %add3A_207 = arith.constant 32 : i32
          %add3A_208 = arith.addi %mul3A_206, %add3A_207 : i32
          %get3A_209 = arith.index_cast %scan3A_103 : i32 to index
          %get3A_210 = arith.index_cast %add3A_208 : i32 to index
          %get3A_211 = tpu.vector_load %arg10[%get3A_209, %get3A_210] {strides = array<i32>} : memref<16x512xf32, #tpu.memory_space<vmem>>, vector<16xf32>,
          %sub3A_212 = arith.subf %gather3A_193, %get3A_204 : vector<16xf32>
          %sub3A_213 = arith.subf %gather3A_197, %get3A_211 : vector<16xf32>
          %mul3A_214 = arith.mulf %sub3A_212, %sub3A_212 : vector<16xf32>
          %add3A_215 = arith.addf %scan3A_122, %mul3A_214 : vector<16xf32>
          %mul3A_216 = arith.mulf %sub3A_213, %sub3A_213 : vector<16xf32>
          %add3A_217 = arith.addf %add3A_215, %mul3A_216 : vector<16xf32>
          %mul3A_218 = arith.constant 256 : i32
          %mul3A_219 = arith.muli %scan3A_119, %mul3A_218 : i32
          %add3A_220 = arith.constant 96 : i32
          %add3A_221 = arith.addi %mul3A_219, %add3A_220 : i32
          %add3A_222 = vector.broadcast %add3A_221 : i32 to vector<16xi32>
          %add3A_223 = arith.addi %mul3A_5, %add3A_222 : vector<16xi32>
          %gather3A_224 = tpu.vector_load_idx %arg6[%broadcast_in_dim3A_112, %add3A_223] : memref<16x1024xf32, #tpu.memory_space<vmem>>[vector<16xi32>, vector<16xi32>], vector<16xf32>,
          %add3A_225 = arith.constant 1 : i32
          %add3A_226 = vector.broadcast %add3A_225 : i32 to vector<16xi32>
          %add3A_227 = arith.addi %add3A_223, %add3A_226 : vector<16xi32>
          %gather3A_228 = tpu.vector_load_idx %arg6[%broadcast_in_dim3A_112, %add3A_227] : memref<16x1024xf32, #tpu.memory_space<vmem>>[vector<16xi32>, vector<16xi32>], vector<16xf32>,
          %mul3A_229 = arith.constant 128 : i32
          %mul3A_230 = arith.muli %scan3A_119, %mul3A_229 : i32
          %add3A_231 = arith.constant 48 : i32
          %add3A_232 = arith.addi %mul3A_230, %add3A_231 : i32
          %get3A_233 = arith.index_cast %scan3A_103 : i32 to index
          %get3A_234 = arith.index_cast %add3A_232 : i32 to index
          %get3A_235 = tpu.vector_load %arg8[%get3A_233, %get3A_234] {strides = array<i32>} : memref<16x512xf32, #tpu.memory_space<vmem>>, vector<16xf32>,
          %mul3A_236 = arith.constant 128 : i32
          %mul3A_237 = arith.muli %scan3A_119, %mul3A_236 : i32
          %add3A_238 = arith.constant 48 : i32
          %add3A_239 = arith.addi %mul3A_237, %add3A_238 : i32
          %get3A_240 = arith.index_cast %scan3A_103 : i32 to index
          %get3A_241 = arith.index_cast %add3A_239 : i32 to index
          %get3A_242 = tpu.vector_load %arg10[%get3A_240, %get3A_241] {strides = array<i32>} : memref<16x512xf32, #tpu.memory_space<vmem>>, vector<16xf32>,
          %sub3A_243 = arith.subf %gather3A_224, %get3A_235 : vector<16xf32>
          %sub3A_244 = arith.subf %gather3A_228, %get3A_242 : vector<16xf32>
          %mul3A_245 = arith.mulf %sub3A_243, %sub3A_243 : vector<16xf32>
          %add3A_246 = arith.addf %scan3A_123, %mul3A_245 : vector<16xf32>
          %mul3A_247 = arith.mulf %sub3A_244, %sub3A_244 : vector<16xf32>
          %add3A_248 = arith.addf %add3A_246, %mul3A_247 : vector<16xf32>
          %mul3A_249 = arith.constant 256 : i32
          %mul3A_250 = arith.muli %scan3A_119, %mul3A_249 : i32
          %add3A_251 = arith.constant 128 : i32
          %add3A_252 = arith.addi %mul3A_250, %add3A_251 : i32
          %add3A_253 = vector.broadcast %add3A_252 : i32 to vector<16xi32>
          %add3A_254 = arith.addi %mul3A_5, %add3A_253 : vector<16xi32>
          %gather3A_255 = tpu.vector_load_idx %arg6[%broadcast_in_dim3A_112, %add3A_254] : memref<16x1024xf32, #tpu.memory_space<vmem>>[vector<16xi32>, vector<16xi32>], vector<16xf32>,
          %add3A_256 = arith.constant 1 : i32
          %add3A_257 = vector.broadcast %add3A_256 : i32 to vector<16xi32>
          %add3A_258 = arith.addi %add3A_254, %add3A_257 : vector<16xi32>
          %gather3A_259 = tpu.vector_load_idx %arg6[%broadcast_in_dim3A_112, %add3A_258] : memref<16x1024xf32, #tpu.memory_space<vmem>>[vector<16xi32>, vector<16xi32>], vector<16xf32>,
          %mul3A_260 = arith.constant 128 : i32
          %mul3A_261 = arith.muli %scan3A_119, %mul3A_260 : i32
          %add3A_262 = arith.constant 64 : i32
          %add3A_263 = arith.addi %mul3A_261, %add3A_262 : i32
          %get3A_264 = arith.index_cast %scan3A_103 : i32 to index
          %get3A_265 = arith.index_cast %add3A_263 : i32 to index
          %get3A_266 = tpu.vector_load %arg8[%get3A_264, %get3A_265] {strides = array<i32>} : memref<16x512xf32, #tpu.memory_space<vmem>>, vector<16xf32>,
          %mul3A_267 = arith.constant 128 : i32
          %mul3A_268 = arith.muli %scan3A_119, %mul3A_267 : i32
          %add3A_269 = arith.constant 64 : i32
          %add3A_270 = arith.addi %mul3A_268, %add3A_269 : i32
          %get3A_271 = arith.index_cast %scan3A_103 : i32 to index
          %get3A_272 = arith.index_cast %add3A_270 : i32 to index
          %get3A_273 = tpu.vector_load %arg10[%get3A_271, %get3A_272] {strides = array<i32>} : memref<16x512xf32, #tpu.memory_space<vmem>>, vector<16xf32>,
          %sub3A_274 = arith.subf %gather3A_255, %get3A_266 : vector<16xf32>
          %sub3A_275 = arith.subf %gather3A_259, %get3A_273 : vector<16xf32>
          %mul3A_276 = arith.mulf %sub3A_274, %sub3A_274 : vector<16xf32>
          %add3A_277 = arith.addf %scan3A_124, %mul3A_276 : vector<16xf32>
          %mul3A_278 = arith.mulf %sub3A_275, %sub3A_275 : vector<16xf32>
          %add3A_279 = arith.addf %add3A_277, %mul3A_278 : vector<16xf32>
          %mul3A_280 = arith.constant 256 : i32
          %mul3A_281 = arith.muli %scan3A_119, %mul3A_280 : i32
          %add3A_282 = arith.constant 160 : i32
          %add3A_283 = arith.addi %mul3A_281, %add3A_282 : i32
          %add3A_284 = vector.broadcast %add3A_283 : i32 to vector<16xi32>
          %add3A_285 = arith.addi %mul3A_5, %add3A_284 : vector<16xi32>
          %gather3A_286 = tpu.vector_load_idx %arg6[%broadcast_in_dim3A_112, %add3A_285] : memref<16x1024xf32, #tpu.memory_space<vmem>>[vector<16xi32>, vector<16xi32>], vector<16xf32>,
          %add3A_287 = arith.constant 1 : i32
          %add3A_288 = vector.broadcast %add3A_287 : i32 to vector<16xi32>
          %add3A_289 = arith.addi %add3A_285, %add3A_288 : vector<16xi32>
          %gather3A_290 = tpu.vector_load_idx %arg6[%broadcast_in_dim3A_112, %add3A_289] : memref<16x1024xf32, #tpu.memory_space<vmem>>[vector<16xi32>, vector<16xi32>], vector<16xf32>,
          %mul3A_291 = arith.constant 128 : i32
          %mul3A_292 = arith.muli %scan3A_119, %mul3A_291 : i32
          %add3A_293 = arith.constant 80 : i32
          %add3A_294 = arith.addi %mul3A_292, %add3A_293 : i32
          %get3A_295 = arith.index_cast %scan3A_103 : i32 to index
          %get3A_296 = arith.index_cast %add3A_294 : i32 to index
          %get3A_297 = tpu.vector_load %arg8[%get3A_295, %get3A_296] {strides = array<i32>} : memref<16x512xf32, #tpu.memory_space<vmem>>, vector<16xf32>,
          %mul3A_298 = arith.constant 128 : i32
          %mul3A_299 = arith.muli %scan3A_119, %mul3A_298 : i32
          %add3A_300 = arith.constant 80 : i32
          %add3A_301 = arith.addi %mul3A_299, %add3A_300 : i32
          %get3A_302 = arith.index_cast %scan3A_103 : i32 to index
          %get3A_303 = arith.index_cast %add3A_301 : i32 to index
          %get3A_304 = tpu.vector_load %arg10[%get3A_302, %get3A_303] {strides = array<i32>} : memref<16x512xf32, #tpu.memory_space<vmem>>, vector<16xf32>,
          %sub3A_305 = arith.subf %gather3A_286, %get3A_297 : vector<16xf32>
          %sub3A_306 = arith.subf %gather3A_290, %get3A_304 : vector<16xf32>
          %mul3A_307 = arith.mulf %sub3A_305, %sub3A_305 : vector<16xf32>
          %add3A_308 = arith.addf %scan3A_125, %mul3A_307 : vector<16xf32>
          %mul3A_309 = arith.mulf %sub3A_306, %sub3A_306 : vector<16xf32>
          %add3A_310 = arith.addf %add3A_308, %mul3A_309 : vector<16xf32>
          %mul3A_311 = arith.constant 256 : i32
          %mul3A_312 = arith.muli %scan3A_119, %mul3A_311 : i32
          %add3A_313 = arith.constant 192 : i32
          %add3A_314 = arith.addi %mul3A_312, %add3A_313 : i32
          %add3A_315 = vector.broadcast %add3A_314 : i32 to vector<16xi32>
          %add3A_316 = arith.addi %mul3A_5, %add3A_315 : vector<16xi32>
          %gather3A_317 = tpu.vector_load_idx %arg6[%broadcast_in_dim3A_112, %add3A_316] : memref<16x1024xf32, #tpu.memory_space<vmem>>[vector<16xi32>, vector<16xi32>], vector<16xf32>,
          %add3A_318 = arith.constant 1 : i32
          %add3A_319 = vector.broadcast %add3A_318 : i32 to vector<16xi32>
          %add3A_320 = arith.addi %add3A_316, %add3A_319 : vector<16xi32>
          %gather3A_321 = tpu.vector_load_idx %arg6[%broadcast_in_dim3A_112, %add3A_320] : memref<16x1024xf32, #tpu.memory_space<vmem>>[vector<16xi32>, vector<16xi32>], vector<16xf32>,
          %mul3A_322 = arith.constant 128 : i32
          %mul3A_323 = arith.muli %scan3A_119, %mul3A_322 : i32
          %add3A_324 = arith.constant 96 : i32
          %add3A_325 = arith.addi %mul3A_323, %add3A_324 : i32
          %get3A_326 = arith.index_cast %scan3A_103 : i32 to index
          %get3A_327 = arith.index_cast %add3A_325 : i32 to index
          %get3A_328 = tpu.vector_load %arg8[%get3A_326, %get3A_327] {strides = array<i32>} : memref<16x512xf32, #tpu.memory_space<vmem>>, vector<16xf32>,
          %mul3A_329 = arith.constant 128 : i32
          %mul3A_330 = arith.muli %scan3A_119, %mul3A_329 : i32
          %add3A_331 = arith.constant 96 : i32
          %add3A_332 = arith.addi %mul3A_330, %add3A_331 : i32
          %get3A_333 = arith.index_cast %scan3A_103 : i32 to index
          %get3A_334 = arith.index_cast %add3A_332 : i32 to index
          %get3A_335 = tpu.vector_load %arg10[%get3A_333, %get3A_334] {strides = array<i32>} : memref<16x512xf32, #tpu.memory_space<vmem>>, vector<16xf32>,
          %sub3A_336 = arith.subf %gather3A_317, %get3A_328 : vector<16xf32>
          %sub3A_337 = arith.subf %gather3A_321, %get3A_335 : vector<16xf32>
          %mul3A_338 = arith.mulf %sub3A_336, %sub3A_336 : vector<16xf32>
          %add3A_339 = arith.addf %scan3A_126, %mul3A_338 : vector<16xf32>
          %mul3A_340 = arith.mulf %sub3A_337, %sub3A_337 : vector<16xf32>
          %add3A_341 = arith.addf %add3A_339, %mul3A_340 : vector<16xf32>
          %mul3A_342 = arith.constant 256 : i32
          %mul3A_343 = arith.muli %scan3A_119, %mul3A_342 : i32
          %add3A_344 = arith.constant 224 : i32
          %add3A_345 = arith.addi %mul3A_343, %add3A_344 : i32
          %add3A_346 = vector.broadcast %add3A_345 : i32 to vector<16xi32>
          %add3A_347 = arith.addi %mul3A_5, %add3A_346 : vector<16xi32>
          %gather3A_348 = tpu.vector_load_idx %arg6[%broadcast_in_dim3A_112, %add3A_347] : memref<16x1024xf32, #tpu.memory_space<vmem>>[vector<16xi32>, vector<16xi32>], vector<16xf32>,
          %add3A_349 = arith.constant 1 : i32
          %add3A_350 = vector.broadcast %add3A_349 : i32 to vector<16xi32>
          %add3A_351 = arith.addi %add3A_347, %add3A_350 : vector<16xi32>
          %gather3A_352 = tpu.vector_load_idx %arg6[%broadcast_in_dim3A_112, %add3A_351] : memref<16x1024xf32, #tpu.memory_space<vmem>>[vector<16xi32>, vector<16xi32>], vector<16xf32>,
          %mul3A_353 = arith.constant 128 : i32
          %mul3A_354 = arith.muli %scan3A_119, %mul3A_353 : i32
          %add3A_355 = arith.constant 112 : i32
          %add3A_356 = arith.addi %mul3A_354, %add3A_355 : i32
          %get3A_357 = arith.index_cast %scan3A_103 : i32 to index
          %get3A_358 = arith.index_cast %add3A_356 : i32 to index
          %get3A_359 = tpu.vector_load %arg8[%get3A_357, %get3A_358] {strides = array<i32>} : memref<16x512xf32, #tpu.memory_space<vmem>>, vector<16xf32>,
          %mul3A_360 = arith.constant 128 : i32
          %mul3A_361 = arith.muli %scan3A_119, %mul3A_360 : i32
          %add3A_362 = arith.constant 112 : i32
          %add3A_363 = arith.addi %mul3A_361, %add3A_362 : i32
          %get3A_364 = arith.index_cast %scan3A_103 : i32 to index
          %get3A_365 = arith.index_cast %add3A_363 : i32 to index
          %get3A_366 = tpu.vector_load %arg10[%get3A_364, %get3A_365] {strides = array<i32>} : memref<16x512xf32, #tpu.memory_space<vmem>>, vector<16xf32>,
          %sub3A_367 = arith.subf %gather3A_348, %get3A_359 : vector<16xf32>
          %sub3A_368 = arith.subf %gather3A_352, %get3A_366 : vector<16xf32>
          %mul3A_369 = arith.mulf %sub3A_367, %sub3A_367 : vector<16xf32>
          %add3A_370 = arith.addf %scan3A_127, %mul3A_369 : vector<16xf32>
          %mul3A_371 = arith.mulf %sub3A_368, %sub3A_368 : vector<16xf32>
          %add3A_372 = arith.addf %add3A_370, %mul3A_371 : vector<16xf32>
          scf.yield %add3A_155, %add3A_186, %add3A_217, %add3A_248, %add3A_279, %add3A_310, %add3A_341, %add3A_372 : vector<16xf32>, vector<16xf32>, vector<16xf32>, vector<16xf32>, vector<16xf32>, vector<16xf32>, vector<16xf32>, vector<16xf32>
        }
        %scan3A_118 = arith.constant 4 : i32
        scf.yield %scan3A_117#0, %scan3A_117#1, %scan3A_117#2, %scan3A_117#3, %scan3A_117#4, %scan3A_117#5, %scan3A_117#6, %scan3A_117#7 : vector<16xf32>, vector<16xf32>, vector<16xf32>, vector<16xf32>, vector<16xf32>, vector<16xf32>, vector<16xf32>, vector<16xf32>
      }
      %scan3A_75 = arith.constant 16 : i32
      %lt3A = arith.constant 15 : i32
      %lt3A_76 = arith.cmpi slt, %scan3A_45, %lt3A : i32
      %convert_element_type3A = arith.extui %lt3A_76 : i1 to i32
      %cond3A = arith.constant 0 : i32
      %cond3A_77 = arith.cmpi ne, %convert_element_type3A, %cond3A : i32
      scf.if %cond3A_77 {
        %add3A_103 = arith.constant 32 : i32
        %add3A_104 = arith.addi %add3A_58, %add3A_103 : i32
        %dma_start3A_105 = arith.constant 0 : i32
        %dma_start3A_106 = tpu.memref_slice %arg2[%add3A_104, %dma_start3A_105] : memref<16384x1024xf32, #tpu.memory_space<hbm>> -> memref<16x1024xf32, #tpu.memory_space<hbm>>
        %dma_start3A_107 = arith.constant 0 : i32
        %dma_start3A_108 = tpu.memref_slice %arg2[%add3A_104, %dma_start3A_107] : memref<16384x1024xf32, #tpu.memory_space<hbm>> -> memref<16x1024xf32, #tpu.memory_space<hbm>>
        tpu.enqueue_dma source(%dma_start3A_108 : memref<16x1024xf32, #tpu.memory_space<hbm>>) target(%arg6 : memref<16x1024xf32, #tpu.memory_space<vmem>>) target_semaphore(%arg13 : memref<!tpu.dma_semaphore, #tpu.memory_space<semaphore_mem>>)
        %dma_start3A_109 = arith.constant 0 : i32
        %dma_start3A_110 = tpu.memref_slice %arg3[%add3A_104, %dma_start3A_109] : memref<16384x512xf32, #tpu.memory_space<hbm>> -> memref<16x512xf32, #tpu.memory_space<hbm>>
        %dma_start3A_111 = arith.constant 0 : i32
        %dma_start3A_112 = tpu.memref_slice %arg3[%add3A_104, %dma_start3A_111] : memref<16384x512xf32, #tpu.memory_space<hbm>> -> memref<16x512xf32, #tpu.memory_space<hbm>>
        tpu.enqueue_dma source(%dma_start3A_112 : memref<16x512xf32, #tpu.memory_space<hbm>>) target(%arg8 : memref<16x512xf32, #tpu.memory_space<vmem>>) target_semaphore(%arg15 : memref<!tpu.dma_semaphore, #tpu.memory_space<semaphore_mem>>)
        %dma_start3A_113 = arith.constant 0 : i32
        %dma_start3A_114 = tpu.memref_slice %arg4[%add3A_104, %dma_start3A_113] : memref<16384x512xf32, #tpu.memory_space<hbm>> -> memref<16x512xf32, #tpu.memory_space<hbm>>
        %dma_start3A_115 = arith.constant 0 : i32
        %dma_start3A_116 = tpu.memref_slice %arg4[%add3A_104, %dma_start3A_115] : memref<16384x512xf32, #tpu.memory_space<hbm>> -> memref<16x512xf32, #tpu.memory_space<hbm>>
        tpu.enqueue_dma source(%dma_start3A_116 : memref<16x512xf32, #tpu.memory_space<hbm>>) target(%arg10 : memref<16x512xf32, #tpu.memory_space<vmem>>) target_semaphore(%arg17 : memref<!tpu.dma_semaphore, #tpu.memory_space<semaphore_mem>>)
      } else {
      }
      %add3A_78 = arith.constant 16 : i32
      %add3A_79 = arith.addi %add3A_58, %add3A_78 : i32
      %dma_wait3A_80 = arith.constant 0 : i32
      %dma_wait3A_81 = tpu.memref_slice %arg2[%add3A_79, %dma_wait3A_80] : memref<16384x1024xf32, #tpu.memory_space<hbm>> -> memref<16x1024xf32, #tpu.memory_space<hbm>>
      %dma_wait3A_82 = arith.constant 0 : i32
      %dma_wait3A_83 = tpu.memref_slice %arg2[%add3A_79, %dma_wait3A_82] : memref<16384x1024xf32, #tpu.memory_space<hbm>> -> memref<16x1024xf32, #tpu.memory_space<hbm>>
      tpu.wait_dma2 semaphore(%arg14 : memref<!tpu.dma_semaphore, #tpu.memory_space<semaphore_mem>>) src(%dma_wait3A_83 : memref<16x1024xf32, #tpu.memory_space<hbm>>) dst(%arg7 : memref<16x1024xf32, #tpu.memory_space<vmem>>)
      %dma_wait3A_84 = arith.constant 0 : i32
      %dma_wait3A_85 = tpu.memref_slice %arg3[%add3A_79, %dma_wait3A_84] : memref<16384x512xf32, #tpu.memory_space<hbm>> -> memref<16x512xf32, #tpu.memory_space<hbm>>
      %dma_wait3A_86 = arith.constant 0 : i32
      %dma_wait3A_87 = tpu.memref_slice %arg3[%add3A_79, %dma_wait3A_86] : memref<16384x512xf32, #tpu.memory_space<hbm>> -> memref<16x512xf32, #tpu.memory_space<hbm>>
      tpu.wait_dma2 semaphore(%arg16 : memref<!tpu.dma_semaphore, #tpu.memory_space<semaphore_mem>>) src(%dma_wait3A_87 : memref<16x512xf32, #tpu.memory_space<hbm>>) dst(%arg9 : memref<16x512xf32, #tpu.memory_space<vmem>>)
      %dma_wait3A_88 = arith.constant 0 : i32
      %dma_wait3A_89 = tpu.memref_slice %arg4[%add3A_79, %dma_wait3A_88] : memref<16384x512xf32, #tpu.memory_space<hbm>> -> memref<16x512xf32, #tpu.memory_space<hbm>>
      %dma_wait3A_90 = arith.constant 0 : i32
      %dma_wait3A_91 = tpu.memref_slice %arg4[%add3A_79, %dma_wait3A_90] : memref<16384x512xf32, #tpu.memory_space<hbm>> -> memref<16x512xf32, #tpu.memory_space<hbm>>
      tpu.wait_dma2 semaphore(%arg18 : memref<!tpu.dma_semaphore, #tpu.memory_space<semaphore_mem>>) src(%dma_wait3A_91 : memref<16x512xf32, #tpu.memory_space<hbm>>) dst(%arg11 : memref<16x512xf32, #tpu.memory_space<vmem>>)
      %scan3A_92 = arith.constant 0 : i32
      %scan3A_93 = arith.constant 16 : i32
      %scan3A_94 = arith.addi %scan3A_92, %scan3A_93 : i32
      %scan3A_95 = arith.constant 1 : i32
      %scan3A_96:8 = scf.for %scan3A_103 = %scan3A_92 to %scan3A_94 step %scan3A_95 iter_args(%scan3A_104 = %scan3A_74#0, %scan3A_105 = %scan3A_74#1, %scan3A_106 = %scan3A_74#2, %scan3A_107 = %scan3A_74#3, %scan3A_108 = %scan3A_74#4, %scan3A_109 = %scan3A_74#5, %scan3A_110 = %scan3A_74#6, %scan3A_111 = %scan3A_74#7) -> (vector<16xf32>, vector<16xf32>, vector<16xf32>, vector<16xf32>, vector<16xf32>, vector<16xf32>, vector<16xf32>, vector<16xf32>)  : i32 {
        %broadcast_in_dim3A_112 = vector.broadcast %scan3A_103 : i32 to vector<16xi32>
        %scan3A_113 = arith.constant 0 : i32
        %scan3A_114 = arith.constant 4 : i32
        %scan3A_115 = arith.addi %scan3A_113, %scan3A_114 : i32
        %scan3A_116 = arith.constant 1 : i32
        %scan3A_117:8 = scf.for %scan3A_119 = %scan3A_113 to %scan3A_115 step %scan3A_116 iter_args(%scan3A_120 = %scan3A_104, %scan3A_121 = %scan3A_105, %scan3A_122 = %scan3A_106, %scan3A_123 = %scan3A_107, %scan3A_124 = %scan3A_108, %scan3A_125 = %scan3A_109, %scan3A_126 = %scan3A_110, %scan3A_127 = %scan3A_111) -> (vector<16xf32>, vector<16xf32>, vector<16xf32>, vector<16xf32>, vector<16xf32>, vector<16xf32>, vector<16xf32>, vector<16xf32>)  : i32 {
          %mul3A_128 = arith.constant 256 : i32
          %mul3A_129 = arith.muli %scan3A_119, %mul3A_128 : i32
          %add3A_130 = arith.constant 0 : i32
          %add3A_131 = arith.addi %mul3A_129, %add3A_130 : i32
          %add3A_132 = vector.broadcast %add3A_131 : i32 to vector<16xi32>
          %add3A_133 = arith.addi %mul3A_5, %add3A_132 : vector<16xi32>
          %gather3A = tpu.vector_load_idx %arg7[%broadcast_in_dim3A_112, %add3A_133] : memref<16x1024xf32, #tpu.memory_space<vmem>>[vector<16xi32>, vector<16xi32>], vector<16xf32>,
          %add3A_134 = arith.constant 1 : i32
          %add3A_135 = vector.broadcast %add3A_134 : i32 to vector<16xi32>
          %add3A_136 = arith.addi %add3A_133, %add3A_135 : vector<16xi32>
          %gather3A_137 = tpu.vector_load_idx %arg7[%broadcast_in_dim3A_112, %add3A_136] : memref<16x1024xf32, #tpu.memory_space<vmem>>[vector<16xi32>, vector<16xi32>], vector<16xf32>,
          %mul3A_138 = arith.constant 128 : i32
          %mul3A_139 = arith.muli %scan3A_119, %mul3A_138 : i32
          %add3A_140 = arith.constant 0 : i32
          %add3A_141 = arith.addi %mul3A_139, %add3A_140 : i32
          %get3A = arith.index_cast %scan3A_103 : i32 to index
          %get3A_142 = arith.index_cast %add3A_141 : i32 to index
          %get3A_143 = tpu.vector_load %arg9[%get3A, %get3A_142] {strides = array<i32>} : memref<16x512xf32, #tpu.memory_space<vmem>>, vector<16xf32>,
          %mul3A_144 = arith.constant 128 : i32
          %mul3A_145 = arith.muli %scan3A_119, %mul3A_144 : i32
          %add3A_146 = arith.constant 0 : i32
          %add3A_147 = arith.addi %mul3A_145, %add3A_146 : i32
          %get3A_148 = arith.index_cast %scan3A_103 : i32 to index
          %get3A_149 = arith.index_cast %add3A_147 : i32 to index
          %get3A_150 = tpu.vector_load %arg11[%get3A_148, %get3A_149] {strides = array<i32>} : memref<16x512xf32, #tpu.memory_space<vmem>>, vector<16xf32>,
          %sub3A = arith.subf %gather3A, %get3A_143 : vector<16xf32>
          %sub3A_151 = arith.subf %gather3A_137, %get3A_150 : vector<16xf32>
          %mul3A_152 = arith.mulf %sub3A, %sub3A : vector<16xf32>
          %add3A_153 = arith.addf %scan3A_120, %mul3A_152 : vector<16xf32>
          %mul3A_154 = arith.mulf %sub3A_151, %sub3A_151 : vector<16xf32>
          %add3A_155 = arith.addf %add3A_153, %mul3A_154 : vector<16xf32>
          %mul3A_156 = arith.constant 256 : i32
          %mul3A_157 = arith.muli %scan3A_119, %mul3A_156 : i32
          %add3A_158 = arith.constant 32 : i32
          %add3A_159 = arith.addi %mul3A_157, %add3A_158 : i32
          %add3A_160 = vector.broadcast %add3A_159 : i32 to vector<16xi32>
          %add3A_161 = arith.addi %mul3A_5, %add3A_160 : vector<16xi32>
          %gather3A_162 = tpu.vector_load_idx %arg7[%broadcast_in_dim3A_112, %add3A_161] : memref<16x1024xf32, #tpu.memory_space<vmem>>[vector<16xi32>, vector<16xi32>], vector<16xf32>,
          %add3A_163 = arith.constant 1 : i32
          %add3A_164 = vector.broadcast %add3A_163 : i32 to vector<16xi32>
          %add3A_165 = arith.addi %add3A_161, %add3A_164 : vector<16xi32>
          %gather3A_166 = tpu.vector_load_idx %arg7[%broadcast_in_dim3A_112, %add3A_165] : memref<16x1024xf32, #tpu.memory_space<vmem>>[vector<16xi32>, vector<16xi32>], vector<16xf32>,
          %mul3A_167 = arith.constant 128 : i32
          %mul3A_168 = arith.muli %scan3A_119, %mul3A_167 : i32
          %add3A_169 = arith.constant 16 : i32
          %add3A_170 = arith.addi %mul3A_168, %add3A_169 : i32
          %get3A_171 = arith.index_cast %scan3A_103 : i32 to index
          %get3A_172 = arith.index_cast %add3A_170 : i32 to index
          %get3A_173 = tpu.vector_load %arg9[%get3A_171, %get3A_172] {strides = array<i32>} : memref<16x512xf32, #tpu.memory_space<vmem>>, vector<16xf32>,
          %mul3A_174 = arith.constant 128 : i32
          %mul3A_175 = arith.muli %scan3A_119, %mul3A_174 : i32
          %add3A_176 = arith.constant 16 : i32
          %add3A_177 = arith.addi %mul3A_175, %add3A_176 : i32
          %get3A_178 = arith.index_cast %scan3A_103 : i32 to index
          %get3A_179 = arith.index_cast %add3A_177 : i32 to index
          %get3A_180 = tpu.vector_load %arg11[%get3A_178, %get3A_179] {strides = array<i32>} : memref<16x512xf32, #tpu.memory_space<vmem>>, vector<16xf32>,
          %sub3A_181 = arith.subf %gather3A_162, %get3A_173 : vector<16xf32>
          %sub3A_182 = arith.subf %gather3A_166, %get3A_180 : vector<16xf32>
          %mul3A_183 = arith.mulf %sub3A_181, %sub3A_181 : vector<16xf32>
          %add3A_184 = arith.addf %scan3A_121, %mul3A_183 : vector<16xf32>
          %mul3A_185 = arith.mulf %sub3A_182, %sub3A_182 : vector<16xf32>
          %add3A_186 = arith.addf %add3A_184, %mul3A_185 : vector<16xf32>
          %mul3A_187 = arith.constant 256 : i32
          %mul3A_188 = arith.muli %scan3A_119, %mul3A_187 : i32
          %add3A_189 = arith.constant 64 : i32
          %add3A_190 = arith.addi %mul3A_188, %add3A_189 : i32
          %add3A_191 = vector.broadcast %add3A_190 : i32 to vector<16xi32>
          %add3A_192 = arith.addi %mul3A_5, %add3A_191 : vector<16xi32>
          %gather3A_193 = tpu.vector_load_idx %arg7[%broadcast_in_dim3A_112, %add3A_192] : memref<16x1024xf32, #tpu.memory_space<vmem>>[vector<16xi32>, vector<16xi32>], vector<16xf32>,
          %add3A_194 = arith.constant 1 : i32
          %add3A_195 = vector.broadcast %add3A_194 : i32 to vector<16xi32>
          %add3A_196 = arith.addi %add3A_192, %add3A_195 : vector<16xi32>
          %gather3A_197 = tpu.vector_load_idx %arg7[%broadcast_in_dim3A_112, %add3A_196] : memref<16x1024xf32, #tpu.memory_space<vmem>>[vector<16xi32>, vector<16xi32>], vector<16xf32>,
          %mul3A_198 = arith.constant 128 : i32
          %mul3A_199 = arith.muli %scan3A_119, %mul3A_198 : i32
          %add3A_200 = arith.constant 32 : i32
          %add3A_201 = arith.addi %mul3A_199, %add3A_200 : i32
          %get3A_202 = arith.index_cast %scan3A_103 : i32 to index
          %get3A_203 = arith.index_cast %add3A_201 : i32 to index
          %get3A_204 = tpu.vector_load %arg9[%get3A_202, %get3A_203] {strides = array<i32>} : memref<16x512xf32, #tpu.memory_space<vmem>>, vector<16xf32>,
          %mul3A_205 = arith.constant 128 : i32
          %mul3A_206 = arith.muli %scan3A_119, %mul3A_205 : i32
          %add3A_207 = arith.constant 32 : i32
          %add3A_208 = arith.addi %mul3A_206, %add3A_207 : i32
          %get3A_209 = arith.index_cast %scan3A_103 : i32 to index
          %get3A_210 = arith.index_cast %add3A_208 : i32 to index
          %get3A_211 = tpu.vector_load %arg11[%get3A_209, %get3A_210] {strides = array<i32>} : memref<16x512xf32, #tpu.memory_space<vmem>>, vector<16xf32>,
          %sub3A_212 = arith.subf %gather3A_193, %get3A_204 : vector<16xf32>
          %sub3A_213 = arith.subf %gather3A_197, %get3A_211 : vector<16xf32>
          %mul3A_214 = arith.mulf %sub3A_212, %sub3A_212 : vector<16xf32>
          %add3A_215 = arith.addf %scan3A_122, %mul3A_214 : vector<16xf32>
          %mul3A_216 = arith.mulf %sub3A_213, %sub3A_213 : vector<16xf32>
          %add3A_217 = arith.addf %add3A_215, %mul3A_216 : vector<16xf32>
          %mul3A_218 = arith.constant 256 : i32
          %mul3A_219 = arith.muli %scan3A_119, %mul3A_218 : i32
          %add3A_220 = arith.constant 96 : i32
          %add3A_221 = arith.addi %mul3A_219, %add3A_220 : i32
          %add3A_222 = vector.broadcast %add3A_221 : i32 to vector<16xi32>
          %add3A_223 = arith.addi %mul3A_5, %add3A_222 : vector<16xi32>
          %gather3A_224 = tpu.vector_load_idx %arg7[%broadcast_in_dim3A_112, %add3A_223] : memref<16x1024xf32, #tpu.memory_space<vmem>>[vector<16xi32>, vector<16xi32>], vector<16xf32>,
          %add3A_225 = arith.constant 1 : i32
          %add3A_226 = vector.broadcast %add3A_225 : i32 to vector<16xi32>
          %add3A_227 = arith.addi %add3A_223, %add3A_226 : vector<16xi32>
          %gather3A_228 = tpu.vector_load_idx %arg7[%broadcast_in_dim3A_112, %add3A_227] : memref<16x1024xf32, #tpu.memory_space<vmem>>[vector<16xi32>, vector<16xi32>], vector<16xf32>,
          %mul3A_229 = arith.constant 128 : i32
          %mul3A_230 = arith.muli %scan3A_119, %mul3A_229 : i32
          %add3A_231 = arith.constant 48 : i32
          %add3A_232 = arith.addi %mul3A_230, %add3A_231 : i32
          %get3A_233 = arith.index_cast %scan3A_103 : i32 to index
          %get3A_234 = arith.index_cast %add3A_232 : i32 to index
          %get3A_235 = tpu.vector_load %arg9[%get3A_233, %get3A_234] {strides = array<i32>} : memref<16x512xf32, #tpu.memory_space<vmem>>, vector<16xf32>,
          %mul3A_236 = arith.constant 128 : i32
          %mul3A_237 = arith.muli %scan3A_119, %mul3A_236 : i32
          %add3A_238 = arith.constant 48 : i32
          %add3A_239 = arith.addi %mul3A_237, %add3A_238 : i32
          %get3A_240 = arith.index_cast %scan3A_103 : i32 to index
          %get3A_241 = arith.index_cast %add3A_239 : i32 to index
          %get3A_242 = tpu.vector_load %arg11[%get3A_240, %get3A_241] {strides = array<i32>} : memref<16x512xf32, #tpu.memory_space<vmem>>, vector<16xf32>,
          %sub3A_243 = arith.subf %gather3A_224, %get3A_235 : vector<16xf32>
          %sub3A_244 = arith.subf %gather3A_228, %get3A_242 : vector<16xf32>
          %mul3A_245 = arith.mulf %sub3A_243, %sub3A_243 : vector<16xf32>
          %add3A_246 = arith.addf %scan3A_123, %mul3A_245 : vector<16xf32>
          %mul3A_247 = arith.mulf %sub3A_244, %sub3A_244 : vector<16xf32>
          %add3A_248 = arith.addf %add3A_246, %mul3A_247 : vector<16xf32>
          %mul3A_249 = arith.constant 256 : i32
          %mul3A_250 = arith.muli %scan3A_119, %mul3A_249 : i32
          %add3A_251 = arith.constant 128 : i32
          %add3A_252 = arith.addi %mul3A_250, %add3A_251 : i32
          %add3A_253 = vector.broadcast %add3A_252 : i32 to vector<16xi32>
          %add3A_254 = arith.addi %mul3A_5, %add3A_253 : vector<16xi32>
          %gather3A_255 = tpu.vector_load_idx %arg7[%broadcast_in_dim3A_112, %add3A_254] : memref<16x1024xf32, #tpu.memory_space<vmem>>[vector<16xi32>, vector<16xi32>], vector<16xf32>,
          %add3A_256 = arith.constant 1 : i32
          %add3A_257 = vector.broadcast %add3A_256 : i32 to vector<16xi32>
          %add3A_258 = arith.addi %add3A_254, %add3A_257 : vector<16xi32>
          %gather3A_259 = tpu.vector_load_idx %arg7[%broadcast_in_dim3A_112, %add3A_258] : memref<16x1024xf32, #tpu.memory_space<vmem>>[vector<16xi32>, vector<16xi32>], vector<16xf32>,
          %mul3A_260 = arith.constant 128 : i32
          %mul3A_261 = arith.muli %scan3A_119, %mul3A_260 : i32
          %add3A_262 = arith.constant 64 : i32
          %add3A_263 = arith.addi %mul3A_261, %add3A_262 : i32
          %get3A_264 = arith.index_cast %scan3A_103 : i32 to index
          %get3A_265 = arith.index_cast %add3A_263 : i32 to index
          %get3A_266 = tpu.vector_load %arg9[%get3A_264, %get3A_265] {strides = array<i32>} : memref<16x512xf32, #tpu.memory_space<vmem>>, vector<16xf32>,
          %mul3A_267 = arith.constant 128 : i32
          %mul3A_268 = arith.muli %scan3A_119, %mul3A_267 : i32
          %add3A_269 = arith.constant 64 : i32
          %add3A_270 = arith.addi %mul3A_268, %add3A_269 : i32
          %get3A_271 = arith.index_cast %scan3A_103 : i32 to index
          %get3A_272 = arith.index_cast %add3A_270 : i32 to index
          %get3A_273 = tpu.vector_load %arg11[%get3A_271, %get3A_272] {strides = array<i32>} : memref<16x512xf32, #tpu.memory_space<vmem>>, vector<16xf32>,
          %sub3A_274 = arith.subf %gather3A_255, %get3A_266 : vector<16xf32>
          %sub3A_275 = arith.subf %gather3A_259, %get3A_273 : vector<16xf32>
          %mul3A_276 = arith.mulf %sub3A_274, %sub3A_274 : vector<16xf32>
          %add3A_277 = arith.addf %scan3A_124, %mul3A_276 : vector<16xf32>
          %mul3A_278 = arith.mulf %sub3A_275, %sub3A_275 : vector<16xf32>
          %add3A_279 = arith.addf %add3A_277, %mul3A_278 : vector<16xf32>
          %mul3A_280 = arith.constant 256 : i32
          %mul3A_281 = arith.muli %scan3A_119, %mul3A_280 : i32
          %add3A_282 = arith.constant 160 : i32
          %add3A_283 = arith.addi %mul3A_281, %add3A_282 : i32
          %add3A_284 = vector.broadcast %add3A_283 : i32 to vector<16xi32>
          %add3A_285 = arith.addi %mul3A_5, %add3A_284 : vector<16xi32>
          %gather3A_286 = tpu.vector_load_idx %arg7[%broadcast_in_dim3A_112, %add3A_285] : memref<16x1024xf32, #tpu.memory_space<vmem>>[vector<16xi32>, vector<16xi32>], vector<16xf32>,
          %add3A_287 = arith.constant 1 : i32
          %add3A_288 = vector.broadcast %add3A_287 : i32 to vector<16xi32>
          %add3A_289 = arith.addi %add3A_285, %add3A_288 : vector<16xi32>
          %gather3A_290 = tpu.vector_load_idx %arg7[%broadcast_in_dim3A_112, %add3A_289] : memref<16x1024xf32, #tpu.memory_space<vmem>>[vector<16xi32>, vector<16xi32>], vector<16xf32>,
          %mul3A_291 = arith.constant 128 : i32
          %mul3A_292 = arith.muli %scan3A_119, %mul3A_291 : i32
          %add3A_293 = arith.constant 80 : i32
          %add3A_294 = arith.addi %mul3A_292, %add3A_293 : i32
          %get3A_295 = arith.index_cast %scan3A_103 : i32 to index
          %get3A_296 = arith.index_cast %add3A_294 : i32 to index
          %get3A_297 = tpu.vector_load %arg9[%get3A_295, %get3A_296] {strides = array<i32>} : memref<16x512xf32, #tpu.memory_space<vmem>>, vector<16xf32>,
          %mul3A_298 = arith.constant 128 : i32
          %mul3A_299 = arith.muli %scan3A_119, %mul3A_298 : i32
          %add3A_300 = arith.constant 80 : i32
          %add3A_301 = arith.addi %mul3A_299, %add3A_300 : i32
          %get3A_302 = arith.index_cast %scan3A_103 : i32 to index
          %get3A_303 = arith.index_cast %add3A_301 : i32 to index
          %get3A_304 = tpu.vector_load %arg11[%get3A_302, %get3A_303] {strides = array<i32>} : memref<16x512xf32, #tpu.memory_space<vmem>>, vector<16xf32>,
          %sub3A_305 = arith.subf %gather3A_286, %get3A_297 : vector<16xf32>
          %sub3A_306 = arith.subf %gather3A_290, %get3A_304 : vector<16xf32>
          %mul3A_307 = arith.mulf %sub3A_305, %sub3A_305 : vector<16xf32>
          %add3A_308 = arith.addf %scan3A_125, %mul3A_307 : vector<16xf32>
          %mul3A_309 = arith.mulf %sub3A_306, %sub3A_306 : vector<16xf32>
          %add3A_310 = arith.addf %add3A_308, %mul3A_309 : vector<16xf32>
          %mul3A_311 = arith.constant 256 : i32
          %mul3A_312 = arith.muli %scan3A_119, %mul3A_311 : i32
          %add3A_313 = arith.constant 192 : i32
          %add3A_314 = arith.addi %mul3A_312, %add3A_313 : i32
          %add3A_315 = vector.broadcast %add3A_314 : i32 to vector<16xi32>
          %add3A_316 = arith.addi %mul3A_5, %add3A_315 : vector<16xi32>
          %gather3A_317 = tpu.vector_load_idx %arg7[%broadcast_in_dim3A_112, %add3A_316] : memref<16x1024xf32, #tpu.memory_space<vmem>>[vector<16xi32>, vector<16xi32>], vector<16xf32>,
          %add3A_318 = arith.constant 1 : i32
          %add3A_319 = vector.broadcast %add3A_318 : i32 to vector<16xi32>
          %add3A_320 = arith.addi %add3A_316, %add3A_319 : vector<16xi32>
          %gather3A_321 = tpu.vector_load_idx %arg7[%broadcast_in_dim3A_112, %add3A_320] : memref<16x1024xf32, #tpu.memory_space<vmem>>[vector<16xi32>, vector<16xi32>], vector<16xf32>,
          %mul3A_322 = arith.constant 128 : i32
          %mul3A_323 = arith.muli %scan3A_119, %mul3A_322 : i32
          %add3A_324 = arith.constant 96 : i32
          %add3A_325 = arith.addi %mul3A_323, %add3A_324 : i32
          %get3A_326 = arith.index_cast %scan3A_103 : i32 to index
          %get3A_327 = arith.index_cast %add3A_325 : i32 to index
          %get3A_328 = tpu.vector_load %arg9[%get3A_326, %get3A_327] {strides = array<i32>} : memref<16x512xf32, #tpu.memory_space<vmem>>, vector<16xf32>,
          %mul3A_329 = arith.constant 128 : i32
          %mul3A_330 = arith.muli %scan3A_119, %mul3A_329 : i32
          %add3A_331 = arith.constant 96 : i32
          %add3A_332 = arith.addi %mul3A_330, %add3A_331 : i32
          %get3A_333 = arith.index_cast %scan3A_103 : i32 to index
          %get3A_334 = arith.index_cast %add3A_332 : i32 to index
          %get3A_335 = tpu.vector_load %arg11[%get3A_333, %get3A_334] {strides = array<i32>} : memref<16x512xf32, #tpu.memory_space<vmem>>, vector<16xf32>,
          %sub3A_336 = arith.subf %gather3A_317, %get3A_328 : vector<16xf32>
          %sub3A_337 = arith.subf %gather3A_321, %get3A_335 : vector<16xf32>
          %mul3A_338 = arith.mulf %sub3A_336, %sub3A_336 : vector<16xf32>
          %add3A_339 = arith.addf %scan3A_126, %mul3A_338 : vector<16xf32>
          %mul3A_340 = arith.mulf %sub3A_337, %sub3A_337 : vector<16xf32>
          %add3A_341 = arith.addf %add3A_339, %mul3A_340 : vector<16xf32>
          %mul3A_342 = arith.constant 256 : i32
          %mul3A_343 = arith.muli %scan3A_119, %mul3A_342 : i32
          %add3A_344 = arith.constant 224 : i32
          %add3A_345 = arith.addi %mul3A_343, %add3A_344 : i32
          %add3A_346 = vector.broadcast %add3A_345 : i32 to vector<16xi32>
          %add3A_347 = arith.addi %mul3A_5, %add3A_346 : vector<16xi32>
          %gather3A_348 = tpu.vector_load_idx %arg7[%broadcast_in_dim3A_112, %add3A_347] : memref<16x1024xf32, #tpu.memory_space<vmem>>[vector<16xi32>, vector<16xi32>], vector<16xf32>,
          %add3A_349 = arith.constant 1 : i32
          %add3A_350 = vector.broadcast %add3A_349 : i32 to vector<16xi32>
          %add3A_351 = arith.addi %add3A_347, %add3A_350 : vector<16xi32>
          %gather3A_352 = tpu.vector_load_idx %arg7[%broadcast_in_dim3A_112, %add3A_351] : memref<16x1024xf32, #tpu.memory_space<vmem>>[vector<16xi32>, vector<16xi32>], vector<16xf32>,
          %mul3A_353 = arith.constant 128 : i32
          %mul3A_354 = arith.muli %scan3A_119, %mul3A_353 : i32
          %add3A_355 = arith.constant 112 : i32
          %add3A_356 = arith.addi %mul3A_354, %add3A_355 : i32
          %get3A_357 = arith.index_cast %scan3A_103 : i32 to index
          %get3A_358 = arith.index_cast %add3A_356 : i32 to index
          %get3A_359 = tpu.vector_load %arg9[%get3A_357, %get3A_358] {strides = array<i32>} : memref<16x512xf32, #tpu.memory_space<vmem>>, vector<16xf32>,
          %mul3A_360 = arith.constant 128 : i32
          %mul3A_361 = arith.muli %scan3A_119, %mul3A_360 : i32
          %add3A_362 = arith.constant 112 : i32
          %add3A_363 = arith.addi %mul3A_361, %add3A_362 : i32
          %get3A_364 = arith.index_cast %scan3A_103 : i32 to index
          %get3A_365 = arith.index_cast %add3A_363 : i32 to index
          %get3A_366 = tpu.vector_load %arg11[%get3A_364, %get3A_365] {strides = array<i32>} : memref<16x512xf32, #tpu.memory_space<vmem>>, vector<16xf32>,
          %sub3A_367 = arith.subf %gather3A_348, %get3A_359 : vector<16xf32>
          %sub3A_368 = arith.subf %gather3A_352, %get3A_366 : vector<16xf32>
          %mul3A_369 = arith.mulf %sub3A_367, %sub3A_367 : vector<16xf32>
          %add3A_370 = arith.addf %scan3A_127, %mul3A_369 : vector<16xf32>
          %mul3A_371 = arith.mulf %sub3A_368, %sub3A_368 : vector<16xf32>
          %add3A_372 = arith.addf %add3A_370, %mul3A_371 : vector<16xf32>
          scf.yield %add3A_155, %add3A_186, %add3A_217, %add3A_248, %add3A_279, %add3A_310, %add3A_341, %add3A_372 : vector<16xf32>, vector<16xf32>, vector<16xf32>, vector<16xf32>, vector<16xf32>, vector<16xf32>, vector<16xf32>, vector<16xf32>
        }
        %scan3A_118 = arith.constant 4 : i32
        scf.yield %scan3A_117#0, %scan3A_117#1, %scan3A_117#2, %scan3A_117#3, %scan3A_117#4, %scan3A_117#5, %scan3A_117#6, %scan3A_117#7 : vector<16xf32>, vector<16xf32>, vector<16xf32>, vector<16xf32>, vector<16xf32>, vector<16xf32>, vector<16xf32>, vector<16xf32>
      }
      %scan3A_97 = arith.constant 16 : i32
      %lt3A_98 = arith.constant 15 : i32
      %lt3A_99 = arith.cmpi slt, %scan3A_45, %lt3A_98 : i32
      %convert_element_type3A_100 = arith.extui %lt3A_99 : i1 to i32
      %cond3A_101 = arith.constant 0 : i32
      %cond3A_102 = arith.cmpi ne, %convert_element_type3A_100, %cond3A_101 : i32
      scf.if %cond3A_102 {
        %add3A_103 = arith.constant 32 : i32
        %add3A_104 = arith.addi %add3A_79, %add3A_103 : i32
        %dma_start3A_105 = arith.constant 0 : i32
        %dma_start3A_106 = tpu.memref_slice %arg2[%add3A_104, %dma_start3A_105] : memref<16384x1024xf32, #tpu.memory_space<hbm>> -> memref<16x1024xf32, #tpu.memory_space<hbm>>
        %dma_start3A_107 = arith.constant 0 : i32
        %dma_start3A_108 = tpu.memref_slice %arg2[%add3A_104, %dma_start3A_107] : memref<16384x1024xf32, #tpu.memory_space<hbm>> -> memref<16x1024xf32, #tpu.memory_space<hbm>>
        tpu.enqueue_dma source(%dma_start3A_108 : memref<16x1024xf32, #tpu.memory_space<hbm>>) target(%arg7 : memref<16x1024xf32, #tpu.memory_space<vmem>>) target_semaphore(%arg14 : memref<!tpu.dma_semaphore, #tpu.memory_space<semaphore_mem>>)
        %dma_start3A_109 = arith.constant 0 : i32
        %dma_start3A_110 = tpu.memref_slice %arg3[%add3A_104, %dma_start3A_109] : memref<16384x512xf32, #tpu.memory_space<hbm>> -> memref<16x512xf32, #tpu.memory_space<hbm>>
        %dma_start3A_111 = arith.constant 0 : i32
        %dma_start3A_112 = tpu.memref_slice %arg3[%add3A_104, %dma_start3A_111] : memref<16384x512xf32, #tpu.memory_space<hbm>> -> memref<16x512xf32, #tpu.memory_space<hbm>>
        tpu.enqueue_dma source(%dma_start3A_112 : memref<16x512xf32, #tpu.memory_space<hbm>>) target(%arg9 : memref<16x512xf32, #tpu.memory_space<vmem>>) target_semaphore(%arg16 : memref<!tpu.dma_semaphore, #tpu.memory_space<semaphore_mem>>)
        %dma_start3A_113 = arith.constant 0 : i32
        %dma_start3A_114 = tpu.memref_slice %arg4[%add3A_104, %dma_start3A_113] : memref<16384x512xf32, #tpu.memory_space<hbm>> -> memref<16x512xf32, #tpu.memory_space<hbm>>
        %dma_start3A_115 = arith.constant 0 : i32
        %dma_start3A_116 = tpu.memref_slice %arg4[%add3A_104, %dma_start3A_115] : memref<16384x512xf32, #tpu.memory_space<hbm>> -> memref<16x512xf32, #tpu.memory_space<hbm>>
        tpu.enqueue_dma source(%dma_start3A_116 : memref<16x512xf32, #tpu.memory_space<hbm>>) target(%arg11 : memref<16x512xf32, #tpu.memory_space<vmem>>) target_semaphore(%arg18 : memref<!tpu.dma_semaphore, #tpu.memory_space<semaphore_mem>>)
      } else {
      }
      scf.yield %scan3A_96#0, %scan3A_96#1, %scan3A_96#2, %scan3A_96#3, %scan3A_96#4, %scan3A_96#5, %scan3A_96#6, %scan3A_96#7 : vector<16xf32>, vector<16xf32>, vector<16xf32>, vector<16xf32>, vector<16xf32>, vector<16xf32>, vector<16xf32>, vector<16xf32>
    }
    %scan3A_36 = arith.constant 16 : i32
    %add3A_37 = arith.addf %scan3A_35#0, %scan3A_35#4 : vector<16xf32>
    %add3A_38 = arith.addf %scan3A_35#1, %scan3A_35#5 : vector<16xf32>
    %add3A_39 = arith.addf %scan3A_35#2, %scan3A_35#6 : vector<16xf32>
    %add3A_40 = arith.addf %scan3A_35#3, %scan3A_35#7 : vector<16xf32>
    %add3A_41 = arith.addf %add3A_37, %add3A_38 : vector<16xf32>
    %add3A_42 = arith.addf %add3A_39, %add3A_40 : vector<16xf32>
    %add3A_43 = arith.addf %add3A_41, %add3A_42 : vector<16xf32>
    %swap3A = arith.constant 0 : index
    %swap3A_44 = tpu.vector_load %arg12[%swap3A] {strides = array<i32>} : memref<16xf32, #tpu.memory_space<vmem>>, vector<16xf32>,
    tpu.vector_store %arg12[%swap3A], %add3A_43 {strides = array<i32>} : memref<16xf32, #tpu.memory_space<vmem>>, vector<16xf32>,
    "tpu.region"() ({
      %run_scoped3A = tpu.sem_alloc : memref<!tpu.dma_semaphore, #tpu.memory_space<semaphore_mem>>
      %dma_start3A_45 = arith.constant 0 : i32
      %dma_start3A_46 = tpu.memref_slice %arg5[%add3A, %dma_start3A_45] : memref<32x16xf32, #tpu.memory_space<hbm>> -> memref<1x16xf32, #tpu.memory_space<hbm>>
      %dma_start3A_47 = tpu.memref_squeeze %dma_start3A_46 : memref<1x16xf32, #tpu.memory_space<hbm>> -> memref<16xf32, #tpu.memory_space<hbm>>
      %dma_start3A_48 = arith.constant 0 : i32
      %dma_start3A_49 = tpu.memref_slice %arg5[%add3A, %dma_start3A_48] : memref<32x16xf32, #tpu.memory_space<hbm>> -> memref<1x16xf32, #tpu.memory_space<hbm>>
      %dma_start3A_50 = tpu.memref_squeeze %dma_start3A_49 : memref<1x16xf32, #tpu.memory_space<hbm>> -> memref<16xf32, #tpu.memory_space<hbm>>
      tpu.enqueue_dma source(%arg12 : memref<16xf32, #tpu.memory_space<vmem>>) target(%dma_start3A_50 : memref<16xf32, #tpu.memory_space<hbm>>) target_semaphore(%run_scoped3A : memref<!tpu.dma_semaphore, #tpu.memory_space<semaphore_mem>>)
      %dma_wait3A = arith.constant 0 : i32
      %dma_wait3A_51 = tpu.memref_slice %arg5[%add3A, %dma_wait3A] : memref<32x16xf32, #tpu.memory_space<hbm>> -> memref<1x16xf32, #tpu.memory_space<hbm>>
      %dma_wait3A_52 = tpu.memref_squeeze %dma_wait3A_51 : memref<1x16xf32, #tpu.memory_space<hbm>> -> memref<16xf32, #tpu.memory_space<hbm>>
      %dma_wait3A_53 = arith.constant 0 : i32
      %dma_wait3A_54 = tpu.memref_slice %arg5[%add3A, %dma_wait3A_53] : memref<32x16xf32, #tpu.memory_space<hbm>> -> memref<1x16xf32, #tpu.memory_space<hbm>>
      %dma_wait3A_55 = tpu.memref_squeeze %dma_wait3A_54 : memref<1x16xf32, #tpu.memory_space<hbm>> -> memref<16xf32, #tpu.memory_space<hbm>>
      tpu.wait_dma2 semaphore(%run_scoped3A : memref<!tpu.dma_semaphore, #tpu.memory_space<semaphore_mem>>) src(%arg12 : memref<16xf32, #tpu.memory_space<vmem>>) dst(%dma_wait3A_55 : memref<16xf32, #tpu.memory_space<hbm>>)
      tpu.yield
    }) : () -> ()
    return
  }
}

</mosaic_0001>

<sc_bundles>
// kernel: kernel.3.cloned.1.call-start
scs
__scs_entry_jumppad:
0x0: {  	(pc) =	sbr.rel $0x88, $3  }
0x1: {  	(tag) =	ssettag $0x0;
	lr =	simm.s32 $0x1  }
0x2: {  	[smem:$0x3F9E] =	sst lr;
	_ =	strace $0xD0000000  }
0x3: {  	_ = 	snop  }
0x4: {  	_ = 	snop  }
0x5: {  	_ = 	snop  }
0x6: {  	_ = 	snop  }
0x7: {  	_ = 	snop  }
__scs_overlays_trampoline_lowered:
0x8: {  	[smem:$0x3FAD] =	sst s0  }
0x9: {  	[smem:$0x3FAE] =	sst s1  }
0xa: {  	[smem:$0x3FAF] =	sst s2  }
0xb: {  	[smem:$0x3FB0] =	sst s3  }
0xc: {  	[smem:$0x3FB1] =	sst s4  }
0xd: {  	[smem:$0x3FB2] =	sst s5  }
0xe: {  	[smem:$0x3FB3] =	sst s6  }
0xf: {  	[smem:$0x3FB4] =	sst s7  }
0x10: {  	[smem:$0x3FB5] =	sst s8  }
0x11: {  	[smem:$0x3FB6] =	sst s9;
	s0 =	simm.s32 @!p0 $0x0  }
0x12: {  	s1 =	sld [smem:$0x3F9C];
	s0 =	simm.s32 @p0 $0x1  }
0x13: {  	[smem:$0x3FB7] =	sst s0;
	s0 =	simm.s32 @!p1 $0x0  }
0x14: {  	s2 =	sld [smem:$0x3F9B];
	s0 =	simm.s32 @p1 $0x1  }
0x15: {  	[smem:$0x3FB8] =	sst s0;
	s0 =	simm.s32 @!p2 $0x0  }
0x16: {  	s3 =	sld [smem:$0x3FDB];
	s0 =	simm.s32 @p2 $0x1  }
0x17: {  	s4 =	simm.s32 $0x1BF5;
	[smem:$0x3FBA] =	sst s0  }
0x18: {  	s0 =	sld [smem:$0x3F9D];
	_ =	swait.ge [sflag:s4], $0x0  }
0x19: {  	s7 =	sld [smem:$0x3F9E]  }
0x1a: {  	s8 =	sadd.s32 $0xFFFFE003, lr  }
0x1b: {  	s9 =	sadd.s32 $0xFFFFFEF7, lr;
	s5 =	simm.s32 $0xFFFFFFFF;
	p2 =	slt.u32 s8, $0xFFFFF086  }
0x1c: {  	p1 =	slt.u32 s9, $0xF7A;
	s5 =	simm.s32 @!p2 $0x0  }
0x1d: {  	s5 =	simm.s32 @p1 $0x1;
	p0 =	seq.s32 s7, s2  }
0x1e: {  	s7 =	smul.u32 @!p0 $0xF7A, s2;
	p2 =	seq.s32 @!p0 s5, $0x0  }
0x1f: {  	s9 =	smul.u32 $0xF7A, s1;
	s8 =	simm.s32 @!p0 $0x1BF5;
	p2 =	por !p2, p0  }
0x20: {  	[sflag:s8] =	ssyncset.s32 @!p0 $0xFFFFF086;
	s6 =	sadd.s32 @!p0 s3, s7;
	s7 =	simm.s32 @!p0 $0x108  }
0x21: {  	s3 =	sadd.s32 s3, s9;
	s6 =	sadd.s32 @!p0 $0x88, s6;
	s7 =	simm.s32 @p2 $0x1082  }
0x22: {  	[simem:s7], [sflag:s8] =	dma.local @!p0 [hbm:s6], $0xF7A  }
0x23: {  	s9 =	sor.u32 $0xD0000000, s2;
	s6 =	simm.s32 $0x108;
	_ =	swait.ge @!p0 [sflag:s8], $0x0  }
0x24: {  	s3 =	sadd.s32 $0x88, s3;
	s6 =	simm.s32 @!p1 $0x1082;
	[sflag:s4] =	ssyncset.s32 $0xFFFFF086  }
0x25: {  	[simem:s6], [sflag:s4] =	dma.local [hbm:s3], $0xF7A  }
0x26: {  	[smem:$0x3F9E] =	sst s1;
	(tag) =	ssettag s2;
	_ =	strace s9  }
0x27: {  	s1 =	sld [smem:$0x3FAE]  }
0x28: {  	s2 =	sld [smem:$0x3FAF]  }
0x29: {  	s4 =	sld [smem:$0x3FB1]  }
0x2a: {  	p0 =	seq.s32 s5, $0x0;
	s5 =	sld [smem:$0x3FB2]  }
0x2b: {  	s6 =	sld [smem:$0x3FB3]  }
0x2c: {  	s7 =	sld [smem:$0x3FB4]  }
0x2d: {  	s3 =	simm.s32 $0x108;
	s8 =	sld [smem:$0x3FB5]  }
0x2e: {  	s3 =	simm.s32 @!p0 $0x1082;
	s9 =	sld [smem:$0x3FB6]  }
0x2f: {  	lr =	sadd.s32 s0, s3;
	s0 =	sld [smem:$0x3FAD]  }
0x30: {  	s3 =	sld [smem:$0x3FB0]  }
0x31: {  	[smem:$0x3FB9] =	sst s10  }
0x32: {  	s10 =	sld [smem:$0x3FB7];
	_ =	sdelay $0x3  }
0x33: {  	p0 =	seq.s32 s10, $0x1;
	s10 =	sld [smem:$0x3FB9];
	_ =	sdelay $0x3  }
0x34: {  	[smem:$0x3FB9] =	sst s10  }
0x35: {  	s10 =	sld [smem:$0x3FB8];
	_ =	sdelay $0x3  }
0x36: {  	p1 =	seq.s32 s10, $0x1;
	s10 =	sld [smem:$0x3FB9];
	_ =	sdelay $0x3  }
0x37: {  	[smem:$0x3FB9] =	sst s10  }
0x38: {  	s10 =	sld [smem:$0x3FBA]  }
0x39: {  	_ = 	snop;
	(pc) =	sbr.ind lr, $3  }
0x3a: {  	_ = 	snop  }
0x3b: {  	_ = 	snop  }
0x3c: {  	p2 =	seq.s32 s10, $0x1;
	s10 =	sld [smem:$0x3FB9]  }
0x3d: {  	_ =	shalt  }
0x3e: {  	_ =	shalt  }
0x3f: {  	_ =	shalt  }
0x40: {  	_ =	shalt  }
0x41: {  	_ =	shalt  }
0x42: {  	_ =	shalt  }
0x43: {  	_ =	shalt  }
0x44: {  	_ =	shalt  }
0x45: {  	_ =	shalt  }
0x46: {  	_ =	shalt  }
0x47: {  	_ =	shalt  }
0x48: {  	_ =	shalt  }
0x49: {  	_ =	shalt  }
0x4a: {  	_ =	shalt  }
0x4b: {  	_ =	shalt  }
0x4c: {  	_ =	shalt  }
0x4d: {  	_ =	shalt  }
0x4e: {  	_ =	shalt  }
0x4f: {  	_ =	shalt  }
0x50: {  	_ =	shalt  }
0x51: {  	_ =	shalt  }
0x52: {  	_ =	shalt  }
0x53: {  	_ =	shalt  }
0x54: {  	_ =	shalt  }
0x55: {  	_ =	shalt  }
0x56: {  	_ =	shalt  }
0x57: {  	_ =	shalt  }
0x58: {  	_ =	shalt  }
0x59: {  	_ =	shalt  }
0x5a: {  	_ =	shalt  }
0x5b: {  	_ =	shalt  }
0x5c: {  	_ =	shalt  }
0x5d: {  	_ =	shalt  }
0x5e: {  	_ =	shalt  }
0x5f: {  	_ =	shalt  }
0x60: {  	_ =	shalt  }
0x61: {  	_ =	shalt  }
0x62: {  	_ =	shalt  }
0x63: {  	_ =	shalt  }
0x64: {  	_ =	shalt  }
0x65: {  	_ =	shalt  }
0x66: {  	_ =	shalt  }
0x67: {  	_ =	shalt  }
0x68: {  	_ =	shalt  }
0x69: {  	_ =	shalt  }
0x6a: {  	_ =	shalt  }
0x6b: {  	_ =	shalt  }
0x6c: {  	_ =	shalt  }
0x6d: {  	_ =	shalt  }
0x6e: {  	_ =	shalt  }
0x6f: {  	_ =	shalt  }
0x70: {  	_ =	shalt  }
0x71: {  	_ =	shalt  }
0x72: {  	_ =	shalt  }
0x73: {  	_ =	shalt  }
0x74: {  	_ =	shalt  }
0x75: {  	_ =	shalt  }
0x76: {  	_ =	shalt  }
0x77: {  	_ =	shalt  }
0x78: {  	_ =	shalt  }
0x79: {  	_ =	shalt  }
0x7a: {  	_ =	shalt  }
0x7b: {  	_ =	shalt  }
0x7c: {  	_ =	shalt  }
0x7d: {  	_ =	shalt  }
0x7e: {  	_ =	shalt  }
0x7f: {  	_ =	shalt  }
0x80: {  	_ =	shalt  }
0x81: {  	_ =	shalt  }
0x82: {  	_ =	shalt  }
0x83: {  	_ =	shalt  }
0x84: {  	_ =	shalt  }
0x85: {  	_ =	shalt  }
0x86: {  	_ =	shalt  }
0x87: {  	_ =	shalt  }
.Lfunc_end0:
.L_simem_size_0:
called_computation.1_lowered:
.L_overlay_start_0:
0x88: {  	s2 =	sld [smem:$0x3FD9]  }
0x89: {  	s3 =	sld [smem:$0x3FFE];
	_ =	sdelay $0x1  }
0x8a: {  	s1 =	srdreg.scid  }
0x8b: {  	s0 =	sand.u32 $0x1, s1  }
0x8c: {  	s17 =	sshll.u32 s0, $0xA;
	s2 =	sadd.s32 s3, s2  }
0x8d: {  	s2 =	sadd.s32 s2, s17  }
0x8e: {  	[smem:$0x3FC5] =	sst s2  }
0x8f: {  	_ = 	snop  }
0x90: {  	s2 =	sld [smem:$0x3FC8]  }
0x91: {  	s18 =	sld [smem:$0x3FC7];
	(tm) =	ssettm $0x1  }
0x92: {  	s4 =	sld [smem:$0x3FFB];
	_ =	sdelay $0x3  }
0x93: {  	_ =	strace s4  }
0x94: {  	s4 =	sld [smem:$0x3FFC];
	_ =	sdelay $0x3  }
0x95: {  	_ =	strace s4  }
0x96: {  	s4 =	sld [smem:$0x3FFD];
	_ =	sdelay $0x3  }
0x97: {  	_ =	strace s4  }
0x98: {  	_ =	strace $0x8FFFFFFF  }
0x99: {  	s19 =	sld [smem:$0x3FDB];
	_ =	sdelay $0x1  }
0x9a: {  	s5 =	simm.s32 $_scs_section_size  }
0x9b: {  	s6 =	simm.s32 $_size__tile_overlayer_lowered;
	s7 =	simm.s32 $_tile_overlayer_lowered  }
0x9c: {  	s22 =	simm.s32 $0x1BFF;
	s21 =	sshll.u32 s7, $0x1;
	s4 =	sadd.s32 s5, s19  }
0x9d: {  	s8 =	simm.s32 $0x0;
	s20 =	sshll.u32 s6, $0x1;
	s6 =	sadd.s32 s21, s4  }
0x9e: {  	[timem:s8], [sflag:s22] =	dma.local [hbm:s6], s20  }
0x9f: {  	_ =	swait.ge [sflag:s22], s20  }
0xa0: {  	s5 =	ssub.s32 $0x0, s20;
	[sflag:s22] =	ssyncset.done $0x0  }
0xa1: {  	[sflag:s22] =	ssyncadd.s32 s5;
	_ =	sdelay $0x1  }
0xa2: {  	s23 =	simm.s32 $0x1B8B  }
0xa3: {  	_ =	swait.ge [sflag:s23], $0x1  }
0xa4: {  	[sflag:s23] =	ssyncset.done $0x0  }
0xa5: {  	s25 =	simm.s32 $0x1B8E;
	s24 =	sld [smem:$0x3FFE];
	[sflag:s23] =	ssyncadd.s32 $0xFFFFFFFF  }
0xa6: {  	s26 =	simm.s32 $execute0_lowered;
	[smem:$0x3FD2] =	sst s25  }
0xa7: {  	s6 =	sshll.u32 s26, $0x1;
	_ =	strace $0x80000049;
	[dreg:$0x1] =	wrdreg $0xFFFFFFFF  }
0xa8: {  	s28 =	simm.s32 $_size_execute0_lowered;
	s4 =	sadd.s32 s4, s6;
	[dreg:$0x0] =	wrdreg $0x0  }
0xa9: {  	s6 =	sshll.u32 s28, $0x1;
	[dreg:$0x2] =	wrdreg s4  }
0xaa: {  	[dreg:$0x3] =	wrdreg s6  }
0xab: {  	[dreg:$0x4] =	wrdreg $0xC0  }
0xac: {  	_ =	task [dreg:s8], $0x5FFFF  }
0xad: {  	[dreg:$0x1] =	wrdreg $0xFFFFFFFF  }
0xae: {  	[dreg:$0x0] =	wrdreg $0x60  }
0xaf: {  	[dreg:$0x2] =	wrdreg s24  }
0xb0: {  	[dreg:$0x3] =	wrdreg s2  }
0xb1: {  	[dreg:$0x4] =	wrdreg s18  }
0xb2: {  	[dreg:$0x5] =	wrdreg $0x9  }
0xb3: {  	_ =	task.clear_ibuf [dreg:s8], $0x6FFFF;
	_ =	strace $0x90000049  }
0xb4: {  	s29 =	simm.s32 $0x9;
	_ =	strace $0x8000004B  }
0xb5: {  	_ =	swait.ge [sflag:s29], $0x1  }
0xb6: {  	[sflag:s29] =	ssyncadd.s32 $0xFFFFFFFF  }
0xb7: {  	_ =	strace $0x9000004B  }
0xb8: {  	_ =	sfence  }
0xb9: {  	s30 =	sld [smem:$0x0];
	_ =	sdelay $0x2  }
0xba: {  	s31 =	sshll.u32 s1, $0xD;
	s1 =	sshrl.u32 s1, $0x2  }
0xbb: {  	s3 =	sand.u32 $0x4000, s31;
	s1 =	sadd.s32 s1, s30  }
0xbc: {  	s0 =	sor.u32 s3, s0;
	s1 =	sshll.u32 s1, $0x11  }
0xbd: {  	s0 =	sor.u32 s1, s0  }
0xbe: {  	s0 =	sadd.s32 $0x8F2B, s0  }
0xbf: {  	[sflag:s0] =	ssyncadd.remote.s32 $0x1  }
0xc0: {  	_ =	sfence.sel $0xFFFF  }
0xc1: {  	[dreg:$0x0] =	wrdreg $0xFFFFFFFF;
	(pc) =	sbr.abs _section_cstart, $3  }
0xc2: {  	[dreg:$0x1] =	wrdreg $0xFFFFFFFF  }
0xc3: {  	_ =	task.clear_ibuf [dreg:s8], $0x2FFFF;
	_ =	strace $0x9FFFFFFF  }
0xc4: {  	(tm) =	ssettm $0x7FFFFFFF  }
0xc5: {  	_ =	shalt  }
tec
execute0_lowered:
.L_overlay_start_1:
0x0: {  	(tag) =	ssettag $0x1  }
0x1: {  	s0 =	rddreg [dreg:$0x0]  }
0x2: {  	s2 =	rddreg [dreg:$0x1]  }
0x3: {  	s3 =	rddreg [dreg:$0x2];
	s1 =	srdreg.scid  }
0x4: {  	s5 =	stileid.u32;
	s4 =	simm.s32 $0x0;
	s17 =	simm.s32 $0x4000  }
0x5: {  	s18 =	simm.s32 $0xA000;
	s19 =	simm.s32 $0xE000;
	s20 =	simm.s32 $0x1  }
0x6: {  	s21 =	simm.s32 $0x3;
	s22 =	simm.s32 $0x5;
	s23 =	simm.s32 $0x2  }
0x7: {  	s28 =	simm.s32 $0x7;
	s1 =	sand.u32 $0x1, s1;
	s5 =	sshll.u32 s5, $0x1  }
0x8: {  	s29 =	simm.s32 $0x0;
	[smem:$0x7FF] =	sst s4;
	s7 =	sor.u32 s1, s5  }
0x9: {  	_ =	strace $0x8000004A;
	s1 =	ssub.s32 $0x2, s1;
	s5 =	sadd.s32 $0x400, s0  }
0xa: {  	s6 =	sshll.u32 s7, $0x4;
	s24 =	sshrl.u32 s1, $0x1;
	s8 =	sshll.u32 s7, $0x6  }
0xb: {  	s9 =	sshll.u32 s7, $0x10;
	s0 =	sadd.s32 s6, s0;
	s1 =	ssub.s32 s1, s24  }
0xc: {  	s6 =	sshll.u32 s7, $0x9;
	s7 =	sshll.u32 s7, $0xF;
	s25 =	sadd.s32 s5, s9  }
0xd: {  	v0 =	vlaneseq.u32;
	s11 =	sor.u32 $0x2, s8;
	s24 =	simm.s32 $0x4;
	[dreg:$0x4] =	wrdreg s25  }
.Ltmp0:
0xe: {  	v0 =	vmul.u32 $0x2, v0;
	s26 =	sadd.s32 s2, s7;
	s10 =	sshll.u32 s11, $0xA;
	(pc) =	sbr.rel .LBB2_1-.Ltmp0, $4  }
0xf: {  	s7 =	sadd.s32 s3, s7;
	s31 =	sshll.u32 s11, $0x9;
	s13 =	sadd.s32 $0x200400, s0  }
0x10: {  	v1 =	vor.u32 $0x1, v0;
	s14 =	smax.u32 s1, $0x1;
	s25 =	simm.s32 $0x6;
	[dreg:$0x5] =	wrdreg s26  }
0x11: {  	v2 =	vor.u32 $0x20, v0;
	v3 =	vor.u32 $0x21, v0;
	v4 =	vor.u32 $0x40, v0;
	[dreg:$0x6] =	wrdreg s7;
	s30 =	sadd.s32 s5, s10;
	s11 =	sadd.s32 s2, s31  }
0x12: {  	v5 =	vor.u32 $0x41, v0;
	v6 =	vor.u32 $0x60, v0;
	v7 =	vor.u32 $0x61, v0;
	s12 =	sadd.s32 s3, s31;
	s10 =	simm.s32 $0x80;
	[dreg:$0x7] =	wrdreg s30  }
.LBB2_12:
0x13: {  	v14 =	vadd.f32 v14, v15;
	v11 =	vadd.f32 v11, v13  }
0x14: {  	v9 =	vadd.f32 v9, v12;
	v8 =	vadd.f32 v8, v10;
	_ =	sdelay $0x1  }
0x15: {  	v63 =	vadd.f32 v11, v14;
	v8 =	vadd.f32 v8, v9;
	_ =	sdelay $0x1  }
0x16: {  	s29 =	sadd.s32 $0x1, s29;
	v8 =	vadd.f32 v8, v63  }
0x17: {  	p0 =	sne.s32 s29, s14  }
.Ltmp1:
0x18: {  	s0 =	simm.s32 $0x10000;
	[tilespmem:$0x10000] =	vst v8;
	(pc) =	sbr.rel @!p0 .LBB2_13-.Ltmp1, $4  }
0x19: {  	[hbm4b:s13+s4] =	stream.linear.scatter [tilespmem:s0], [sflag:$0x7], $0x80, $0x38;
	[tilespmem:$0x10080] =	vst v63  }
0x1a: {  	_ =	swait.ge [sflag:s28], $0x80  }
0x1b: {  	[sflag:s28] =	ssyncset.done $0x0  }
0x1c: {  	[sflag:s28] =	ssyncadd.s32 $0xFFFFFF80  }
.LBB2_1:
0x1d: {  	s0 =	rddreg [dreg:$0x4]  }
0x1e: {  	[tilespmem:s4], [sflag:$0x1] =	stream.linear.gather [hbm4b:s0+s4], $0x4000, $0x38;
	[tilespmem:$0x10080] =	vst v63  }
0x1f: {  	s15 =	rddreg [dreg:$0x5];
	s1 =	simm.s32 $0x8000  }
0x20: {  	[tilespmem:s1], [sflag:$0x3] =	stream.linear.gather [hbm4b:s15+s4], $0x2000, $0x38;
	[tilespmem:$0x10080] =	vst v63  }
0x21: {  	s16 =	rddreg [dreg:$0x6];
	s26 =	simm.s32 $0xC000  }
0x22: {  	[tilespmem:s26], [sflag:$0x5] =	stream.linear.gather [hbm4b:s16+s4], $0x2000, $0x38;
	[tilespmem:$0x10080] =	vst v63  }
0x23: {  	s31 =	rddreg [dreg:$0x7]  }
0x24: {  	[tilespmem:s17], [sflag:$0x2] =	stream.linear.gather [hbm4b:s31+s4], $0x4000, $0x38;
	[tilespmem:$0x10080] =	vst v63  }
0x25: {  	_ = 	snop  }
0x26: {  	v8 =	vimm.f32 $0.0e+00;
	v9 =	vimm.f32 $0.0e+00;
	[tilespmem:s18], [sflag:$0x4] =	stream.linear.gather [hbm4b:s11+s4], $0x2000, $0x38;
	[tilespmem:$0x10080] =	vst v63  }
0x27: {  	v11 =	vimm.f32 $0.0e+00;
	v14 =	vimm.f32 $0.0e+00;
	v10 =	vimm.f32 $0.0e+00;
	s30 =	simm.s32 $0x0  }
0x28: {  	v12 =	vimm.f32 $0.0e+00;
	v13 =	vimm.f32 $0.0e+00;
	v15 =	vimm.f32 $0.0e+00;
	[tilespmem:s19], [sflag:$0x6] =	stream.linear.gather [hbm4b:s12+s4], $0x2000, $0x38;
	[tilespmem:$0x10080] =	vst v63  }
.LBB2_2:
0x29: {  	_ =	swait.ge [sflag:s20], $0x4000  }
0x2a: {  	[sflag:s20] =	ssyncset.done $0x0  }
0x2b: {  	[sflag:s20] =	ssyncadd.s32 $0xFFFFC000  }
0x2c: {  	_ =	swait.ge [sflag:s21], $0x2000  }
0x2d: {  	[sflag:s21] =	ssyncset.done $0x0  }
0x2e: {  	[sflag:s21] =	ssyncadd.s32 $0xFFFFE000  }
0x2f: {  	_ =	swait.ge [sflag:s22], $0x2000  }
0x30: {  	s31 =	simm.s32 $0x0;
	[sflag:s22] =	ssyncset.done $0x0  }
0x31: {  	s0 =	simm.s32 $0x0;
	s1 =	simm.s32 $0x0;
	[sflag:s22] =	ssyncadd.s32 $0xFFFFE000  }
.LBB2_3:
0x32: {  	s7 =	sshll.u32 s0, $0x2;
	s15 =	sand.u32 $0x7, s31  }
0x33: {  	s7 =	sand.u32 $0xFFFFC000, s7;
	s15 =	sshll.u32 s15, $0x9  }
0x34: {  	s7 =	sor.u32 s15, s7  }
0x35: {  	s7 =	sshrl.u32 s7, $0x2  }
0x36: {  	s16 =	sadd.s32 $0xC040, s7  }
0x37: {  	v20 =	vld [tilespmem:s16+$0xFFFFFFC0]  }
0x38: {  	v17 =	vld [tilespmem:s16+$0xFFFFFFD0]  }
0x39: {  	v16 =	vld [tilespmem:s16+$0xFFFFFFE0]  }
0x3a: {  	v19 =	vmov s1;
	v18 =	vld [tilespmem:s16+$0xFFFFFFF0]  }
0x3b: {  	v21 =	vshll.u32 v19, $0xA;
	v19 =	vshll.u32 v19, $0x7;
	v26 =	vld [tilespmem:s16+$0x0]  }
0x3c: {  	s26 =	simm.s32 $0xE0;
	s8 =	simm.s32 $0x80;
	v21 =	vand.u32 $0x2000, v21;
	v22 =	vand.u32 $0x380, v19;
	v19 =	vld [tilespmem:s16+$0x10]  }
0x3d: {  	v23 =	vmov s8;
	v24 =	vmov s26;
	v33 =	vor.u32 v21, v22;
	v21 =	vld [tilespmem:s16+$0x20]  }
0x3e: {  	s9 =	simm.s32 $0x0;
	v24 =	vshll.u32 v24, $0x3;
	v23 =	vshll.u32 v23, $0x3;
	s15 =	sadd.s32 $0x8040, s7;
	v35 =	vld [tilespmem:s16+$0x30]  }
0x3f: {  	v22 =	vmov s9;
	v24 =	vand.u32 $0x1C00, v24;
	v31 =	vbroadcast v23, $0x0;
	v36 =	vld [tilespmem:s15+$0xFFFFFFC0]  }
0x40: {  	v25 =	vshll.u32 v22, $0x3;
	v22 =	vor.u32 v1, v33;
	v34 =	vbroadcast v24, $0x0;
	v27 =	vld [tilespmem:s15+$0xFFFFFFD0]  }
0x41: {  	s9 =	simm.s32 $0xA0;
	v23 =	vor.u32 v7, v33;
	v24 =	vor.u32 v0, v33;
	v28 =	vld [tilespmem:s15+$0xFFFFFFE0];
	v40 =	vor.u32 v22, v31  }
0x42: {  	s26 =	simm.s32 $0xC0;
	v29 =	vbroadcast v25, $0x0;
	v30 =	vld [tilespmem:s15+$0xFFFFFFF0];
	v44 =	vor.u32 v24, v31;
	v31 =	vmov s9  }
0x43: {  	v63 =	vmov s26;
	v37 =	vld [tilespmem:s15+$0x0];
	v42 =	vor.u32 v23, v34;
	v47 =	vshll.u32 v31, $0x3  }
0x44: {  	v32 =	vld [tilespmem:s15+$0x10];
	v39 =	vor.u32 v22, v29;
	v43 =	vor.u32 v24, v29;
	v29 =	vand.u32 $0x1800, v25  }
0x45: {  	v38 =	vld [tilespmem:s15+$0x30];
	v25 =	vor.u32 v6, v33;
	v47 =	vand.u32 $0x1C00, v47;
	v41 =	vbroadcast v29, $0x0  }
0x46: {  	v29 =	vor.u32 v3, v33;
	v45 =	vor.u32 v25, v34;
	v34 =	vshll.u32 v63, $0x3;
	v40 =	vld.idx.msk [tilespmem:v40+s4+$0x0], $0xffff  }
0x47: {  	v48 =	vand.u32 $0x1C00, v34;
	v34 =	vor.u32 v5, v33;
	v46 =	vor.u32 v29, v41;
	v44 =	vld.idx.msk [tilespmem:v44+s4+$0x0], $0xffff  }
0x48: {  	v47 =	vbroadcast v47, $0x0;
	v52 =	vor.u32 v34, v41;
	v42 =	vld.idx.msk [tilespmem:v42+s4+$0x0], $0xffff  }
0x49: {  	v48 =	vbroadcast v48, $0x0;
	v53 =	vor.u32 v23, v41;
	v39 =	vld.idx.msk [tilespmem:v39+s4+$0x0], $0xffff  }
0x4a: {  	v51 =	vor.u32 v29, v47;
	v43 =	vld.idx.msk [tilespmem:v43+s4+$0x0], $0xffff  }
0x4b: {  	v31 =	vor.u32 v2, v33;
	v50 =	vor.u32 v34, v48;
	v45 =	vld.idx.msk [tilespmem:v45+s4+$0x0], $0xffff  }
0x4c: {  	s26 =	simm.s32 $0x1E0;
	v33 =	vor.u32 v4, v33;
	v49 =	vor.u32 v31, v41;
	v46 =	vld.idx.msk [tilespmem:v46+s4+$0x0], $0xffff  }
.LBB2_4:
0x4d: {  	p0 =	sne.s32 s26, $0x3E0;
	v54 =	vor.u32 v33, v41;
	v52 =	vld.idx.msk [tilespmem:v52+s4+$0x0], $0xffff  }
0x4e: {  	s7 =	sadd.s32 $0xFFFFFFA0, s26;
	v41 =	vor.u32 v25, v41;
	v53 =	vld.idx.msk [tilespmem:v53+s4+$0x0], $0xffff  }
0x4f: {  	s8 =	sadd.s32 $0xFFFFFF20, s26;
	v56 =	vmov s26;
	v47 =	vor.u32 v31, v47;
	v55 =	vmov s7;
	v51 =	vld.idx.msk [tilespmem:v51+s4+$0x0], $0xffff  }
0x50: {  	v48 =	vor.u32 v33, v48;
	v57 =	vmov s8;
	v56 =	vshll.u32 v56, $0x3;
	v50 =	vld.idx.msk [tilespmem:v50+s4+$0x0], $0xffff  }
0x51: {  	v39 =	vsub.f32 v39, v20;
	v55 =	vshll.u32 v55, $0x3;
	v56 =	vand.u32 $0x1C00, v56;
	v49 =	vld.idx.msk [tilespmem:v49+s4+$0x0], $0xffff  }
0x52: {  	v26 =	vsub.f32 v40, v26;
	v35 =	vsub.f32 v42, v35;
	v57 =	vshll.u32 v57, $0x3;
	v54 =	vld.idx.msk [tilespmem:v54+s4+$0x0], $0xffff  }
0x53: {  	v36 =	vsub.f32 v43, v36;
	v37 =	vsub.f32 v44, v37;
	v40 =	vbroadcast v57, $0x0;
	v41 =	vld.idx.msk [tilespmem:v41+s4+$0x0], $0xffff  }
0x54: {  	v42 =	vbroadcast v55, $0x0;
	v38 =	vsub.f32 v45, v38;
	v43 =	vsub.f32 v46, v17;
	v44 =	vld.idx.msk [tilespmem:v47+s4+$0x0], $0xffff  }
0x55: {  	v45 =	vbroadcast v56, $0x0;
	v46 =	vsub.f32 v52, v16;
	v47 =	vsub.f32 v53, v18;
	v48 =	vld.idx.msk [tilespmem:v48+s4+$0x0], $0xffff  }
0x56: {  	s16 =	sadd.s32 $0x400, s16;
	v52 =	vor.u32 v22, v40;
	v51 =	vsub.f32 v51, v19;
	v50 =	vsub.f32 v50, v21;
	v19 =	vld [tilespmem:s15+$0x20]  }
0x57: {  	v39 =	vmul.f32 v39, v39;
	v21 =	vsub.f32 v49, v27;
	v49 =	vmul.f32 v26, v26;
	v20 =	vld [tilespmem:s16+$0xFFFFFFC0]  }
0x58: {  	v53 =	vmul.f32 v35, v35;
	v27 =	vmul.f32 v36, v36;
	v28 =	vsub.f32 v54, v28;
	v17 =	vld [tilespmem:s16+$0xFFFFFFD0]  }
0x59: {  	v37 =	vmul.f32 v37, v37;
	v38 =	vmul.f32 v38, v38;
	v30 =	vsub.f32 v41, v30;
	v16 =	vld [tilespmem:s16+$0xFFFFFFE0]  }
0x5a: {  	v36 =	vmul.f32 v43, v43;
	v21 =	vmul.f32 v21, v21;
	v32 =	vsub.f32 v44, v32;
	v18 =	vld [tilespmem:s16+$0xFFFFFFF0]  }
0x5b: {  	v28 =	vmul.f32 v28, v28;
	v30 =	vmul.f32 v30, v30;
	v26 =	vld [tilespmem:s16+$0x0];
	v41 =	vsub.f32 v48, v19  }
0x5c: {  	v15 =	vadd.f32 v27, v15;
	v27 =	vmul.f32 v46, v46;
	v13 =	vadd.f32 v21, v13;
	v19 =	vld [tilespmem:s16+$0x10]  }
0x5d: {  	v12 =	vadd.f32 v28, v12;
	v28 =	vmul.f32 v47, v47;
	v10 =	vadd.f32 v30, v10;
	v21 =	vld [tilespmem:s16+$0x20]  }
0x5e: {  	s15 =	sadd.s32 $0x400, s15;
	v15 =	vadd.f32 v39, v15;
	v13 =	vadd.f32 v36, v13;
	v30 =	vmul.f32 v32, v32;
	v35 =	vld [tilespmem:s16+$0x30]  }
0x5f: {  	v12 =	vadd.f32 v27, v12;
	v32 =	vmul.f32 v41, v41;
	v10 =	vadd.f32 v28, v10;
	v36 =	vld [tilespmem:s15+$0xFFFFFFC0]  }
0x60: {  	v14 =	vadd.f32 v37, v14;
	v37 =	vmul.f32 v51, v51;
	v11 =	vadd.f32 v30, v11;
	v27 =	vld [tilespmem:s15+$0xFFFFFFD0]  }
0x61: {  	v8 =	vadd.f32 v38, v8;
	v9 =	vadd.f32 v32, v9;
	v32 =	vmul.f32 v50, v50;
	v28 =	vld [tilespmem:s15+$0xFFFFFFE0]  }
0x62: {  	v43 =	vor.u32 v22, v42;
	v14 =	vadd.f32 v49, v14;
	v11 =	vadd.f32 v37, v11;
	v30 =	vld [tilespmem:s15+$0xFFFFFFF0]  }
0x63: {  	v8 =	vadd.f32 v53, v8;
	v44 =	vor.u32 v23, v45;
	v9 =	vadd.f32 v32, v9;
	v37 =	vld [tilespmem:s15+$0x0]  }
0x64: {  	s7 =	sadd.s32 $0xFFFFFFC0, s26;
	v38 =	vand.u32 $0x1800, v57;
	v46 =	vor.u32 v24, v40;
	v32 =	vld [tilespmem:s15+$0x10]  }
0x65: {  	v49 =	vor.u32 v24, v42;
	v40 =	vmov s7;
	s7 =	sadd.s32 $0xFFFFFFE0, s26;
	v41 =	vbroadcast v38, $0x0;
	v38 =	vld [tilespmem:s15+$0x30]  }
0x66: {  	v42 =	vshll.u32 v40, $0x3;
	v45 =	vor.u32 v25, v45;
	v47 =	vmov s7;
	v39 =	vld.idx.msk [tilespmem:v52+s4+$0x0], $0xffff  }
0x67: {  	v42 =	vand.u32 $0x1C00, v42;
	v54 =	vor.u32 v29, v41;
	v40 =	vld.idx.msk [tilespmem:v43+s4+$0x0], $0xffff;
	v43 =	vshll.u32 v47, $0x3  }
.Ltmp2:
0x68: {  	v52 =	vor.u32 v34, v41;
	v47 =	vbroadcast v42, $0x0;
	v48 =	vand.u32 $0x1C00, v43;
	v42 =	vld.idx.msk [tilespmem:v44+s4+$0x0], $0xffff;
	(pc) =	sbr.rel @p0 .LBB2_4-.Ltmp2, $4  }
0x69: {  	v53 =	vor.u32 v23, v41;
	v43 =	vld.idx.msk [tilespmem:v46+s4+$0x0], $0xffff;
	v48 =	vbroadcast v48, $0x0  }
0x6a: {  	v51 =	vor.u32 v29, v47;
	v44 =	vld.idx.msk [tilespmem:v49+s4+$0x0], $0xffff  }
0x6b: {  	v50 =	vor.u32 v34, v48;
	v45 =	vld.idx.msk [tilespmem:v45+s4+$0x0], $0xffff  }
0x6c: {  	s26 =	sadd.s32 $0x100, s26;
	v49 =	vor.u32 v31, v41;
	v46 =	vld.idx.msk [tilespmem:v54+s4+$0x0], $0xffff  }
0x6d: {  	_ =	sdelay $0x3  }
0x6e: {  	v22 =	vor.u32 v33, v41;
	v23 =	vld.idx.msk [tilespmem:v52+s4+$0x0], $0xffff  }
0x6f: {  	v54 =	vld.idx.msk [tilespmem:v53+s4+$0x0], $0xffff  }
0x70: {  	v24 =	vor.u32 v25, v41;
	v55 =	vld.idx.msk [tilespmem:v51+s4+$0x0], $0xffff  }
0x71: {  	v29 =	vor.u32 v31, v47;
	v20 =	vsub.f32 v39, v20;
	v57 =	vld.idx.msk [tilespmem:v49+s4+$0x0], $0xffff  }
0x72: {  	v56 =	vor.u32 v33, v48;
	v34 =	vld.idx.msk [tilespmem:v50+s4+$0x0], $0xffff;
	v26 =	vsub.f32 v40, v26;
	v35 =	vsub.f32 v42, v35  }
0x73: {  	v36 =	vsub.f32 v43, v36;
	v37 =	vsub.f32 v44, v37;
	v22 =	vld.idx.msk [tilespmem:v22+s4+$0x0], $0xffff  }
0x74: {  	v59 =	vld [tilespmem:s15+$0x20];
	v20 =	vmul.f32 v20, v20;
	v38 =	vsub.f32 v45, v38;
	v17 =	vsub.f32 v46, v17  }
0x75: {  	v60 =	vmul.f32 v36, v36;
	v24 =	vld.idx.msk [tilespmem:v24+s4+$0x0], $0xffff;
	v16 =	vsub.f32 v23, v16;
	v18 =	vsub.f32 v54, v18  }
0x76: {  	v26 =	vmul.f32 v26, v26;
	v29 =	vld.idx.msk [tilespmem:v29+s4+$0x0], $0xffff;
	v19 =	vsub.f32 v55, v19;
	v27 =	vsub.f32 v57, v27  }
0x77: {  	v62 =	vmul.f32 v37, v37;
	v58 =	vld.idx.msk [tilespmem:v56+s4+$0x0], $0xffff;
	v21 =	vsub.f32 v34, v21;
	v15 =	vadd.f32 v60, v15  }
0x78: {  	v63 =	vmul.f32 v38, v38;
	v27 =	vmul.f32 v27, v27;
	v22 =	vsub.f32 v22, v28  }
0x79: {  	v61 =	vmul.f32 v35, v35;
	v14 =	vadd.f32 v62, v14;
	v15 =	vadd.f32 v20, v15  }
0x7a: {  	v8 =	vadd.f32 v63, v8;
	v13 =	vadd.f32 v27, v13;
	v22 =	vmul.f32 v22, v22  }
0x7b: {  	v17 =	vmul.f32 v17, v17;
	v24 =	vsub.f32 v24, v30;
	v29 =	vsub.f32 v29, v32  }
0x7c: {  	s1 =	sadd.s32 $0x1, s1;
	v16 =	vmul.f32 v16, v16;
	v23 =	vsub.f32 v58, v59;
	v12 =	vadd.f32 v22, v12  }
0x7d: {  	p0 =	sne.s32 s1, $0x10;
	v13 =	vadd.f32 v17, v13;
	v24 =	vmul.f32 v24, v24;
	v17 =	vmul.f32 v29, v29  }
.Ltmp3:
0x7e: {  	v14 =	vadd.f32 v26, v14;
	v12 =	vadd.f32 v16, v12;
	v16 =	vmul.f32 v23, v23;
	(pc) =	sbr.rel @p0 .LBB2_3-.Ltmp3, $4  }
0x7f: {  	v18 =	vmul.f32 v18, v18;
	v10 =	vadd.f32 v24, v10;
	v11 =	vadd.f32 v17, v11  }
0x80: {  	v17 =	vmul.f32 v19, v19;
	v9 =	vadd.f32 v16, v9;
	v16 =	vmul.f32 v21, v21  }
0x81: {  	v8 =	vadd.f32 v61, v8;
	v10 =	vadd.f32 v18, v10  }
0x82: {  	s0 =	sadd.s32 $0x200, s0;
	s31 =	sadd.s32 $0x1, s31;
	v11 =	vadd.f32 v17, v11;
	v9 =	vadd.f32 v16, v9  }
0x83: {  	s0 =	sshll.u32 s30, $0x5  }
0x84: {  	p0 =	seq.s32 s30, $0xF;
	s31 =	sadd.s32 s6, s0  }
0x85: {  	s0 =	sadd.s32 @!p0 $0x20, s31  }
0x86: {  	s1 =	sshll.u32 @!p0 s0, $0x7  }
0x87: {  	s7 =	simm.s32 @!p0 $0x0;
	s0 =	sshll.u32 @!p0 s0, $0x6;
	s1 =	sadd.s32 @!p0 s5, s1  }
0x88: {  	[tilespmem:s7], [sflag:$0x1] =	stream.linear.gather @!p0 [hbm4b:s1+s7], $0x4000, $0x38;
	[tilespmem:$0x10080] =	vst v63  }
0x89: {  	s8 =	simm.s32 @!p0 $0x8000;
	s1 =	sadd.s32 @!p0 s2, s0  }
0x8a: {  	[tilespmem:s8], [sflag:$0x3] =	stream.linear.gather @!p0 [hbm4b:s1+s7], $0x2000, $0x38;
	[tilespmem:$0x10080] =	vst v63  }
0x8b: {  	s0 =	sadd.s32 @!p0 s3, s0;
	s1 =	simm.s32 @!p0 $0xC000  }
0x8c: {  	[tilespmem:s1], [sflag:$0x5] =	stream.linear.gather @!p0 [hbm4b:s0+s7], $0x2000, $0x38;
	[tilespmem:$0x10080] =	vst v63  }
0x8d: {  	_ =	swait.ge [sflag:s23], $0x4000  }
0x8e: {  	[sflag:s23] =	ssyncset.done $0x0  }
0x8f: {  	[sflag:s23] =	ssyncadd.s32 $0xFFFFC000  }
0x90: {  	_ =	swait.ge [sflag:s24], $0x2000  }
0x91: {  	[sflag:s24] =	ssyncset.done $0x0  }
0x92: {  	[sflag:s24] =	ssyncadd.s32 $0xFFFFE000  }
0x93: {  	_ =	swait.ge [sflag:s25], $0x2000  }
0x94: {  	s15 =	simm.s32 $0x0;
	[sflag:s25] =	ssyncset.done $0x0  }
0x95: {  	s0 =	simm.s32 $0x0;
	s1 =	simm.s32 $0x0;
	[sflag:s25] =	ssyncadd.s32 $0xFFFFE000  }
.LBB2_7:
0x96: {  	s7 =	sshll.u32 s1, $0x2;
	s8 =	sand.u32 $0x7, s0  }
0x97: {  	s7 =	sand.u32 $0xFFFFC000, s7;
	s8 =	sshll.u32 s8, $0x9  }
0x98: {  	s7 =	sor.u32 s8, s7  }
0x99: {  	s7 =	sshrl.u32 s7, $0x2  }
0x9a: {  	s26 =	sadd.s32 $0xE040, s7  }
0x9b: {  	v20 =	vld [tilespmem:s26+$0xFFFFFFC0]  }
0x9c: {  	v17 =	vld [tilespmem:s26+$0xFFFFFFD0]  }
0x9d: {  	v16 =	vld [tilespmem:s26+$0xFFFFFFE0]  }
0x9e: {  	v19 =	vmov s15;
	v18 =	vld [tilespmem:s26+$0xFFFFFFF0]  }
0x9f: {  	v21 =	vshll.u32 v19, $0xA;
	v19 =	vshll.u32 v19, $0x7;
	v26 =	vld [tilespmem:s26+$0x0]  }
0xa0: {  	s9 =	simm.s32 $0xE0;
	v21 =	vand.u32 $0x2000, v21;
	v22 =	vand.u32 $0x380, v19;
	v19 =	vld [tilespmem:s26+$0x10]  }
0xa1: {  	s16 =	simm.s32 $0x0;
	v23 =	vmov s10;
	v24 =	vmov s9;
	v33 =	vor.u32 v21, v22;
	v21 =	vld [tilespmem:s26+$0x20]  }
0xa2: {  	v23 =	vshll.u32 v23, $0x3;
	v24 =	vshll.u32 v24, $0x3;
	v22 =	vmov s16;
	s16 =	sadd.s32 $0xA040, s7;
	v35 =	vld [tilespmem:s26+$0x30]  }
0xa3: {  	v31 =	vbroadcast v23, $0x0;
	v24 =	vand.u32 $0x1C00, v24;
	v36 =	vld [tilespmem:s16+$0xFFFFFFC0]  }
0xa4: {  	v25 =	vshll.u32 v22, $0x3;
	v22 =	vor.u32 v1, v33;
	v34 =	vbroadcast v24, $0x0;
	v27 =	vld [tilespmem:s16+$0xFFFFFFD0]  }
0xa5: {  	s8 =	simm.s32 $0xA0;
	v23 =	vor.u32 v7, v33;
	v24 =	vor.u32 v0, v33;
	v28 =	vld [tilespmem:s16+$0xFFFFFFE0];
	v40 =	vor.u32 v22, v31  }
0xa6: {  	s9 =	simm.s32 $0xC0;
	v29 =	vbroadcast v25, $0x0;
	v30 =	vld [tilespmem:s16+$0xFFFFFFF0];
	v44 =	vor.u32 v24, v31;
	v31 =	vmov s8  }
0xa7: {  	v63 =	vmov s9;
	v37 =	vld [tilespmem:s16+$0x0];
	v42 =	vor.u32 v23, v34;
	v47 =	vshll.u32 v31, $0x3  }
0xa8: {  	v32 =	vld [tilespmem:s16+$0x10];
	v39 =	vor.u32 v22, v29;
	v43 =	vor.u32 v24, v29;
	v29 =	vand.u32 $0x1800, v25  }
0xa9: {  	v38 =	vld [tilespmem:s16+$0x30];
	v25 =	vor.u32 v6, v33;
	v47 =	vand.u32 $0x1C00, v47;
	v41 =	vbroadcast v29, $0x0  }
0xaa: {  	v29 =	vor.u32 v3, v33;
	v45 =	vor.u32 v25, v34;
	v34 =	vshll.u32 v63, $0x3;
	v40 =	vld.idx.msk [tilespmem:v40+s17+$0x0], $0xffff  }
0xab: {  	v48 =	vand.u32 $0x1C00, v34;
	v34 =	vor.u32 v5, v33;
	v46 =	vor.u32 v29, v41;
	v44 =	vld.idx.msk [tilespmem:v44+s17+$0x0], $0xffff  }
0xac: {  	v47 =	vbroadcast v47, $0x0;
	v52 =	vor.u32 v34, v41;
	v42 =	vld.idx.msk [tilespmem:v42+s17+$0x0], $0xffff  }
0xad: {  	v48 =	vbroadcast v48, $0x0;
	v53 =	vor.u32 v23, v41;
	v39 =	vld.idx.msk [tilespmem:v39+s17+$0x0], $0xffff  }
0xae: {  	v51 =	vor.u32 v29, v47;
	v43 =	vld.idx.msk [tilespmem:v43+s17+$0x0], $0xffff  }
0xaf: {  	v31 =	vor.u32 v2, v33;
	v50 =	vor.u32 v34, v48;
	v45 =	vld.idx.msk [tilespmem:v45+s17+$0x0], $0xffff  }
0xb0: {  	s7 =	simm.s32 $0x1E0;
	v33 =	vor.u32 v4, v33;
	v49 =	vor.u32 v31, v41;
	v46 =	vld.idx.msk [tilespmem:v46+s17+$0x0], $0xffff  }
.LBB2_8:
0xb1: {  	p1 =	sne.s32 s7, $0x3E0;
	v54 =	vor.u32 v33, v41;
	v52 =	vld.idx.msk [tilespmem:v52+s17+$0x0], $0xffff  }
0xb2: {  	s8 =	sadd.s32 $0xFFFFFFA0, s7;
	v41 =	vor.u32 v25, v41;
	v53 =	vld.idx.msk [tilespmem:v53+s17+$0x0], $0xffff  }
0xb3: {  	s9 =	sadd.s32 $0xFFFFFF20, s7;
	v56 =	vmov s7;
	v47 =	vor.u32 v31, v47;
	v55 =	vmov s8;
	v51 =	vld.idx.msk [tilespmem:v51+s17+$0x0], $0xffff  }
0xb4: {  	v48 =	vor.u32 v33, v48;
	v57 =	vmov s9;
	v56 =	vshll.u32 v56, $0x3;
	v50 =	vld.idx.msk [tilespmem:v50+s17+$0x0], $0xffff  }
0xb5: {  	v39 =	vsub.f32 v39, v20;
	v55 =	vshll.u32 v55, $0x3;
	v56 =	vand.u32 $0x1C00, v56;
	v49 =	vld.idx.msk [tilespmem:v49+s17+$0x0], $0xffff  }
0xb6: {  	v26 =	vsub.f32 v40, v26;
	v35 =	vsub.f32 v42, v35;
	v57 =	vshll.u32 v57, $0x3;
	v54 =	vld.idx.msk [tilespmem:v54+s17+$0x0], $0xffff  }
0xb7: {  	v36 =	vsub.f32 v43, v36;
	v37 =	vsub.f32 v44, v37;
	v40 =	vbroadcast v57, $0x0;
	v41 =	vld.idx.msk [tilespmem:v41+s17+$0x0], $0xffff  }
0xb8: {  	v42 =	vbroadcast v55, $0x0;
	v38 =	vsub.f32 v45, v38;
	v43 =	vsub.f32 v46, v17;
	v44 =	vld.idx.msk [tilespmem:v47+s17+$0x0], $0xffff  }
0xb9: {  	v45 =	vbroadcast v56, $0x0;
	v46 =	vsub.f32 v52, v16;
	v47 =	vsub.f32 v53, v18;
	v48 =	vld.idx.msk [tilespmem:v48+s17+$0x0], $0xffff  }
0xba: {  	s26 =	sadd.s32 $0x400, s26;
	v52 =	vor.u32 v22, v40;
	v51 =	vsub.f32 v51, v19;
	v50 =	vsub.f32 v50, v21;
	v19 =	vld [tilespmem:s16+$0x20]  }
0xbb: {  	v39 =	vmul.f32 v39, v39;
	v21 =	vsub.f32 v49, v27;
	v49 =	vmul.f32 v26, v26;
	v20 =	vld [tilespmem:s26+$0xFFFFFFC0]  }
0xbc: {  	v53 =	vmul.f32 v35, v35;
	v27 =	vmul.f32 v36, v36;
	v28 =	vsub.f32 v54, v28;
	v17 =	vld [tilespmem:s26+$0xFFFFFFD0]  }
0xbd: {  	v37 =	vmul.f32 v37, v37;
	v38 =	vmul.f32 v38, v38;
	v30 =	vsub.f32 v41, v30;
	v16 =	vld [tilespmem:s26+$0xFFFFFFE0]  }
0xbe: {  	v36 =	vmul.f32 v43, v43;
	v21 =	vmul.f32 v21, v21;
	v32 =	vsub.f32 v44, v32;
	v18 =	vld [tilespmem:s26+$0xFFFFFFF0]  }
0xbf: {  	v28 =	vmul.f32 v28, v28;
	v30 =	vmul.f32 v30, v30;
	v26 =	vld [tilespmem:s26+$0x0];
	v41 =	vsub.f32 v48, v19  }
0xc0: {  	v15 =	vadd.f32 v27, v15;
	v27 =	vmul.f32 v46, v46;
	v13 =	vadd.f32 v21, v13;
	v19 =	vld [tilespmem:s26+$0x10]  }
0xc1: {  	v12 =	vadd.f32 v28, v12;
	v28 =	vmul.f32 v47, v47;
	v10 =	vadd.f32 v30, v10;
	v21 =	vld [tilespmem:s26+$0x20]  }
0xc2: {  	s16 =	sadd.s32 $0x400, s16;
	v15 =	vadd.f32 v39, v15;
	v13 =	vadd.f32 v36, v13;
	v30 =	vmul.f32 v32, v32;
	v35 =	vld [tilespmem:s26+$0x30]  }
0xc3: {  	v12 =	vadd.f32 v27, v12;
	v32 =	vmul.f32 v41, v41;
	v10 =	vadd.f32 v28, v10;
	v36 =	vld [tilespmem:s16+$0xFFFFFFC0]  }
0xc4: {  	v14 =	vadd.f32 v37, v14;
	v37 =	vmul.f32 v51, v51;
	v11 =	vadd.f32 v30, v11;
	v27 =	vld [tilespmem:s16+$0xFFFFFFD0]  }
0xc5: {  	v8 =	vadd.f32 v38, v8;
	v9 =	vadd.f32 v32, v9;
	v32 =	vmul.f32 v50, v50;
	v28 =	vld [tilespmem:s16+$0xFFFFFFE0]  }
0xc6: {  	v43 =	vor.u32 v22, v42;
	v14 =	vadd.f32 v49, v14;
	v11 =	vadd.f32 v37, v11;
	v30 =	vld [tilespmem:s16+$0xFFFFFFF0]  }
0xc7: {  	v8 =	vadd.f32 v53, v8;
	v44 =	vor.u32 v23, v45;
	v9 =	vadd.f32 v32, v9;
	v37 =	vld [tilespmem:s16+$0x0]  }
0xc8: {  	s8 =	sadd.s32 $0xFFFFFFC0, s7;
	v38 =	vand.u32 $0x1800, v57;
	v46 =	vor.u32 v24, v40;
	v32 =	vld [tilespmem:s16+$0x10]  }
0xc9: {  	v49 =	vor.u32 v24, v42;
	v40 =	vmov s8;
	s8 =	sadd.s32 $0xFFFFFFE0, s7;
	v41 =	vbroadcast v38, $0x0;
	v38 =	vld [tilespmem:s16+$0x30]  }
0xca: {  	v42 =	vshll.u32 v40, $0x3;
	v45 =	vor.u32 v25, v45;
	v47 =	vmov s8;
	v39 =	vld.idx.msk [tilespmem:v52+s17+$0x0], $0xffff  }
0xcb: {  	v42 =	vand.u32 $0x1C00, v42;
	v54 =	vor.u32 v29, v41;
	v40 =	vld.idx.msk [tilespmem:v43+s17+$0x0], $0xffff;
	v43 =	vshll.u32 v47, $0x3  }
.Ltmp4:
0xcc: {  	v52 =	vor.u32 v34, v41;
	v47 =	vbroadcast v42, $0x0;
	v48 =	vand.u32 $0x1C00, v43;
	v42 =	vld.idx.msk [tilespmem:v44+s17+$0x0], $0xffff;
	(pc) =	sbr.rel @p1 .LBB2_8-.Ltmp4, $4  }
0xcd: {  	v53 =	vor.u32 v23, v41;
	v43 =	vld.idx.msk [tilespmem:v46+s17+$0x0], $0xffff;
	v48 =	vbroadcast v48, $0x0  }
0xce: {  	v51 =	vor.u32 v29, v47;
	v44 =	vld.idx.msk [tilespmem:v49+s17+$0x0], $0xffff  }
0xcf: {  	v50 =	vor.u32 v34, v48;
	v45 =	vld.idx.msk [tilespmem:v45+s17+$0x0], $0xffff  }
0xd0: {  	s7 =	sadd.s32 $0x100, s7;
	v49 =	vor.u32 v31, v41;
	v46 =	vld.idx.msk [tilespmem:v54+s17+$0x0], $0xffff  }
0xd1: {  	_ =	sdelay $0x3  }
0xd2: {  	v22 =	vor.u32 v33, v41;
	v23 =	vld.idx.msk [tilespmem:v52+s17+$0x0], $0xffff  }
0xd3: {  	v54 =	vld.idx.msk [tilespmem:v53+s17+$0x0], $0xffff  }
0xd4: {  	v24 =	vor.u32 v25, v41;
	v55 =	vld.idx.msk [tilespmem:v51+s17+$0x0], $0xffff  }
0xd5: {  	v29 =	vor.u32 v31, v47;
	v20 =	vsub.f32 v39, v20;
	v57 =	vld.idx.msk [tilespmem:v49+s17+$0x0], $0xffff  }
0xd6: {  	v56 =	vor.u32 v33, v48;
	v34 =	vld.idx.msk [tilespmem:v50+s17+$0x0], $0xffff;
	v26 =	vsub.f32 v40, v26;
	v35 =	vsub.f32 v42, v35  }
0xd7: {  	v36 =	vsub.f32 v43, v36;
	v37 =	vsub.f32 v44, v37;
	v22 =	vld.idx.msk [tilespmem:v22+s17+$0x0], $0xffff  }
0xd8: {  	v59 =	vld [tilespmem:s16+$0x20];
	v20 =	vmul.f32 v20, v20;
	v26 =	vmul.f32 v26, v26;
	v38 =	vsub.f32 v45, v38  }
0xd9: {  	v61 =	vmul.f32 v35, v35;
	v17 =	vsub.f32 v46, v17;
	v24 =	vld.idx.msk [tilespmem:v24+s17+$0x0], $0xffff;
	v16 =	vsub.f32 v23, v16  }
0xda: {  	v60 =	vmul.f32 v36, v36;
	v29 =	vld.idx.msk [tilespmem:v29+s17+$0x0], $0xffff;
	v18 =	vsub.f32 v54, v18;
	v27 =	vsub.f32 v57, v27  }
0xdb: {  	v62 =	vmul.f32 v37, v37;
	v58 =	vld.idx.msk [tilespmem:v56+s17+$0x0], $0xffff;
	v19 =	vsub.f32 v55, v19;
	v21 =	vsub.f32 v34, v21  }
0xdc: {  	v15 =	vadd.f32 v60, v15;
	v27 =	vmul.f32 v27, v27;
	v22 =	vsub.f32 v22, v28  }
0xdd: {  	v63 =	vmul.f32 v38, v38;
	v17 =	vmul.f32 v17, v17;
	v14 =	vadd.f32 v62, v14  }
0xde: {  	v15 =	vadd.f32 v20, v15;
	v13 =	vadd.f32 v27, v13;
	v22 =	vmul.f32 v22, v22  }
0xdf: {  	v16 =	vmul.f32 v16, v16;
	v24 =	vsub.f32 v24, v30;
	v29 =	vsub.f32 v29, v32  }
0xe0: {  	s15 =	sadd.s32 $0x1, s15;
	v18 =	vmul.f32 v18, v18;
	v23 =	vsub.f32 v58, v59;
	v12 =	vadd.f32 v22, v12  }
0xe1: {  	p1 =	sne.s32 s15, $0x10;
	v8 =	vadd.f32 v63, v8;
	v13 =	vadd.f32 v17, v13;
	v17 =	vmul.f32 v29, v29  }
.Ltmp5:
0xe2: {  	v24 =	vmul.f32 v24, v24;
	v12 =	vadd.f32 v16, v12;
	v16 =	vmul.f32 v23, v23;
	(pc) =	sbr.rel @p1 .LBB2_7-.Ltmp5, $4  }
0xe3: {  	v14 =	vadd.f32 v26, v14;
	v11 =	vadd.f32 v17, v11;
	v17 =	vmul.f32 v19, v19  }
0xe4: {  	v10 =	vadd.f32 v24, v10;
	v9 =	vadd.f32 v16, v9;
	v16 =	vmul.f32 v21, v21  }
0xe5: {  	v8 =	vadd.f32 v61, v8;
	v11 =	vadd.f32 v17, v11  }
0xe6: {  	s1 =	sadd.s32 $0x200, s1;
	s0 =	sadd.s32 $0x1, s0;
	v10 =	vadd.f32 v18, v10;
	v9 =	vadd.f32 v16, v9  }
.Ltmp6:
0xe7: {  	(pc) =	sbr.rel @p0 .LBB2_12-.Ltmp6, $1  }
0xe8: {  	_ =	sdelay $0x3  }
0xe9: {  	s0 =	sadd.s32 $0x30, s31  }
0xea: {  	s1 =	sshll.u32 s0, $0x7  }
0xeb: {  	s1 =	sadd.s32 s5, s1  }
0xec: {  	[tilespmem:s17], [sflag:$0x2] =	stream.linear.gather [hbm4b:s1+s4], $0x4000, $0x38;
	[tilespmem:$0x10080] =	vst v63  }
.Ltmp7:
0xed: {  	s0 =	sshll.u32 s0, $0x6;
	(pc) =	sbr.rel .LBB2_2-.Ltmp7, $4  }
0xee: {  	s31 =	sadd.s32 s2, s0  }
0xef: {  	[tilespmem:s18], [sflag:$0x4] =	stream.linear.gather [hbm4b:s31+s4], $0x2000, $0x38;
	[tilespmem:$0x10080] =	vst v63  }
0xf0: {  	s30 =	sadd.s32 $0x1, s30;
	s0 =	sadd.s32 s3, s0  }
0xf1: {  	[tilespmem:s19], [sflag:$0x6] =	stream.linear.gather [hbm4b:s0+s4], $0x2000, $0x38;
	[tilespmem:$0x10080] =	vst v63  }
.LBB2_13:
0xf2: {  	_ =	sfence.sel $0x180000  }
0xf3: {  	[bflag:$0x0] =	sbarrier.arrive $0xFFFF  }
0xf4: {  	_ =	strace $0x9000004A  }
0xf5: {  	s0 =	stileid.u32;
	[bflag:$0x2] =	sbarrier.arrive $0xFFFF  }
0xf6: {  	p0 =	sne.s32 s0, $0x0;
	s0 =	rddreg [dreg:$0x3]  }
0xf7: {  	s0 =	sadd.s32 @!p0 $0x100000, s0  }
0xf8: {  	[sflag:s0] =	ssyncadd.tile.s32 @!p0 $0x1;
	_ =	shalt  }
.Lfunc_end2:
_tile_overlayer_lowered:
.L_overlay_start_2:
0xf9: {  	(tag) =	ssettag $0x2  }
0xfa: {  	s0 =	rddreg [dreg:$0x0];
	s2 =	stileid.u32  }
0xfb: {  	s1 =	rddreg [dreg:$0x1];
	p0 =	sne.s32 s2, $0x0  }
0xfc: {  	s3 =	rddreg [dreg:$0x2];
	[bflag:$0x3] =	sbarrier.arrive $0xFFFF;
	s2 =	simm.s32 @!p0 $0x1C07  }
0xfd: {  	[timem:s3], [sflag:s2] =	dma.local @!p0 [hbm:s0], s1  }
0xfe: {  	s0 =	simm.s32 @!p0 $0x7  }
0xff: {  	_ =	swait.ge @!p0 [sflag:s0], s1  }
0x100: {  	s1 =	ssub.s32 @!p0 $0x0, s1;
	[sflag:s0] =	ssyncset.done @!p0 $0x0  }
0x101: {  	[sflag:s0] =	ssyncadd.s32 @!p0 s1  }
0x102: {  	[bflag:$0x3] =	sbarrier.arrive $0xFFFF  }
0x103: {  	_ =	shalt  }

// kernel: sparse-core-data-format-call.cloned.1.call-start
scs
called_computation_lowered:
.L_overlay_start_0:
0x0: {  	s1 =	sld [smem:$0x3FD9]  }
0x1: {  	s2 =	sld [smem:$0x3FFE];
	_ =	sdelay $0x1  }
0x2: {  	s3 =	srdreg.scid  }
0x3: {  	s0 =	sand.u32 $0x1, s3  }
0x4: {  	s17 =	sshll.u32 s0, $0xA;
	s1 =	sadd.s32 s2, s1  }
0x5: {  	s1 =	sadd.s32 s1, s17  }
0x6: {  	[smem:$0x3FC5] =	sst s1  }
0x7: {  	_ = 	snop  }
0x8: {  	(tm) =	ssettm $0x1  }
0x9: {  	s18 =	sld [smem:$0x3FFB];
	_ =	sdelay $0x3  }
0xa: {  	_ =	strace s18  }
0xb: {  	s1 =	sld [smem:$0x3FFC];
	_ =	sdelay $0x3  }
0xc: {  	_ =	strace s1  }
0xd: {  	s1 =	sld [smem:$0x3FFD];
	_ =	sdelay $0x3  }
0xe: {  	_ =	strace s1  }
0xf: {  	_ =	strace $0x8FFFFFFF  }
0x10: {  	s19 =	sld [smem:$0x3FDB];
	_ =	sdelay $0x1  }
0x11: {  	s20 =	simm.s32 $_scs_section_size  }
0x12: {  	s4 =	simm.s32 $_size__tile_overlayer_lowered;
	s5 =	simm.s32 $_tile_overlayer_lowered  }
0x13: {  	s23 =	simm.s32 $0x1BFF;
	s22 =	sshll.u32 s5, $0x1;
	s1 =	sadd.s32 s20, s19  }
0x14: {  	s6 =	simm.s32 $0x0;
	s21 =	sshll.u32 s4, $0x1;
	s4 =	sadd.s32 s22, s1  }
0x15: {  	[timem:s6], [sflag:s23] =	dma.local [hbm:s4], s21  }
0x16: {  	_ =	swait.ge [sflag:s23], s21  }
0x17: {  	s2 =	ssub.s32 $0x0, s21;
	[sflag:s23] =	ssyncset.done $0x0  }
0x18: {  	[sflag:s23] =	ssyncadd.s32 s2;
	_ =	sdelay $0x1  }
0x19: {  	s24 =	simm.s32 $0x1B8B  }
0x1a: {  	_ =	swait.ge [sflag:s24], $0x1  }
0x1b: {  	[sflag:s24] =	ssyncset.done $0x0  }
0x1c: {  	s26 =	simm.s32 $0x1B8E;
	s25 =	sld [smem:$0x3FFE];
	[sflag:s24] =	ssyncadd.s32 $0xFFFFFFFF  }
0x1d: {  	s27 =	simm.s32 $execute0_lowered;
	[smem:$0x3FD2] =	sst s26  }
0x1e: {  	s4 =	sshll.u32 s27, $0x1;
	_ =	strace $0x80000046;
	[dreg:$0x1] =	wrdreg $0xFFFFFFFF  }
0x1f: {  	s28 =	simm.s32 $_size_execute0_lowered;
	s1 =	sadd.s32 s1, s4;
	[dreg:$0x0] =	wrdreg $0x0  }
0x20: {  	s4 =	sshll.u32 s28, $0x1;
	[dreg:$0x2] =	wrdreg s1  }
0x21: {  	[dreg:$0x3] =	wrdreg s4  }
0x22: {  	[dreg:$0x4] =	wrdreg $0xC0  }
0x23: {  	_ =	task [dreg:s6], $0x5FFFF  }
0x24: {  	[dreg:$0x1] =	wrdreg $0xFFFFFFFF  }
0x25: {  	[dreg:$0x0] =	wrdreg $0x60  }
0x26: {  	[dreg:$0x2] =	wrdreg s25  }
0x27: {  	[dreg:$0x3] =	wrdreg $0x9  }
0x28: {  	_ =	task.clear_ibuf [dreg:s6], $0x4FFFF;
	_ =	strace $0x90000046  }
0x29: {  	s29 =	simm.s32 $0x9;
	_ =	strace $0x80000048  }
0x2a: {  	_ =	swait.ge [sflag:s29], $0x1  }
0x2b: {  	[sflag:s29] =	ssyncadd.s32 $0xFFFFFFFF  }
0x2c: {  	_ =	strace $0x90000048  }
0x2d: {  	_ =	sfence  }
0x2e: {  	s30 =	sld [smem:$0x0];
	_ =	sdelay $0x2  }
0x2f: {  	s31 =	sshll.u32 s3, $0xD;
	s3 =	sshrl.u32 s3, $0x2  }
0x30: {  	s2 =	sand.u32 $0x4000, s31;
	s1 =	sadd.s32 s3, s30  }
0x31: {  	s0 =	sor.u32 s2, s0;
	s1 =	sshll.u32 s1, $0x11  }
0x32: {  	s0 =	sor.u32 s1, s0  }
0x33: {  	s0 =	sadd.s32 $0x8F2B, s0  }
0x34: {  	[sflag:s0] =	ssyncadd.remote.s32 $0x1  }
0x35: {  	_ =	sfence.sel $0xFFFF  }
0x36: {  	[dreg:$0x0] =	wrdreg $0xFFFFFFFF;
	(pc) =	sbr.abs _section_cstart, $3  }
0x37: {  	[dreg:$0x1] =	wrdreg $0xFFFFFFFF  }
0x38: {  	_ =	task.clear_ibuf [dreg:s6], $0x2FFFF;
	_ =	strace $0x9FFFFFFF  }
0x39: {  	(tm) =	ssettm $0x7FFFFFFF  }
tec
execute0_lowered:
.L_overlay_start_1:
0x0: {  	(tag) =	ssettag $0x1  }
0x1: {  	s1 =	rddreg [dreg:$0x0]  }
0x2: {  	s0 =	rddreg [dreg:$0x1]  }
0x3: {  	_ =	strace $0x80000047;
	s4 =	srdreg.scid;
	s6 =	simm.s32 $0x2  }
0x4: {  	s12 =	simm.s32 $0x0;
	p0 =	por $0x0, $0x0;
	s13 =	simm.s32 $0x0  }
0x5: {  	s15 =	simm.s32 $0x0;
	s14 =	simm.s32 $0x0;
	s8 =	simm.s32 $0x0  }
.Ltmp0:
0x6: {  	s9 =	simm.s32 $0x0;
	s10 =	simm.s32 $0x0;
	(pc) =	sbr.rel .LBB1_1-.Ltmp0, $4  }
0x7: {  	s2 =	sadd.s32 $0x400, s1;
	s3 =	sadd.s32 $0x200400, s1;
	s5 =	sshll.u32 s4, $0x4  }
0x8: {  	s1 =	stileid.u32;
	s4 =	simm.s32 $0x1;
	s5 =	sand.u32 $0x10, s5  }
0x9: {  	s7 =	simm.s32 $0x0;
	[sflag:s4] =	ssyncpa.u1 $0x0;
	s5 =	sor.u32 s1, s5  }
0xa: {  	[sflag:s6] =	ssyncpa.u1 $0x0;
	s6 =	simm.s32 $0x1000;
	s11 =	smov.u32 s5  }
.LBB1_7:
0xb: {  	s16 =	sadd.s32 $0x80, s8  }
0xc: {  	s12 =	sadd.s32 $0x20, s9;
	s17 =	smov.u32 s9;
	p2 =	sgt.s32 s16, $0x1FF  }
0xd: {  	s17 =	smov.u32 @p2 s12  }
0xe: {  	s18 =	smov.u32 s10;
	s12 =	sadd.s32 $0x4, s10;
	p3 =	sgt.s32 s17, $0x1F  }
0xf: {  	s18 =	smov.u32 @p3 s12  }
0x10: {  	s19 =	smov.u32 s11;
	s12 =	sadd.s32 $0x20, s11;
	p4 =	sgt.s32 s18, $0x7  }
0x11: {  	p1 =	slt.u32 s7, $0x2;
	s19 =	smov.u32 @p4 s12  }
0x12: {  	s7 =	sadd.s32 $0x1, s7;
	s16 =	simm.s32 @p2 $0x0;
	p2 =	sgt.s32 s19, $0x7F  }
0x13: {  	s20 =	simm.s32 @!p1 $0x2;
	s19 =	smov.u32 @p2 s5;
	p2 =	sne.s32 s7, $0x22  }
.Ltmp1:
0x14: {  	s13 =	smov.u32 s9;
	_ =	swait.ge @!p1 [sflag:s20], $0x4000;
	(pc) =	sbr.rel @!p2 .LBB1_8-.Ltmp1, $4  }
0x15: {  	s15 =	smov.u32 s10;
	s14 =	smov.u32 s11;
	[sflag:s20] =	ssyncset.done @!p1 $0x0  }
0x16: {  	p0 =	por !p0, !p0;
	s17 =	simm.s32 @p3 $0x0;
	[sflag:s20] =	ssyncadd.s32 @!p1 $0xFFFFC000  }
0x17: {  	s9 =	smov.u32 s17;
	s18 =	simm.s32 @p4 $0x0;
	s12 =	smov.u32 s8  }
0x18: {  	s8 =	smov.u32 s16;
	s10 =	smov.u32 s18;
	s11 =	smov.u32 s19  }
.LBB1_1:
0x19: {  	p1 =	sgt.u32 s7, $0x1F  }
0x1a: {  	s16 =	sxor.u32 @!p1 $0xFFFFFFFF, s7;
	s17 =	sand.u32 @!p1 $0x78, s8;
	s18 =	sshll.u32 @!p1 s9, $0x9  }
0x1b: {  	s19 =	sshll.u32 @!p1 s8, $0x3;
	s20 =	sshll.u32 @!p1 s9, $0x7;
	s16 =	sshll.u32 @!p1 s16, $0xE  }
0x1c: {  	s18 =	sand.u32 @!p1 $0x3000, s18;
	s19 =	sand.u32 @!p1 $0x3C00, s19;
	s16 =	sand.u32 @!p1 $0x4000, s16  }
0x1d: {  	s18 =	sadd.s32 @!p1 s18, s19;
	s19 =	sand.u32 @!p1 $0x200, s20;
	s20 =	sand.u32 @!p1 $0x180, s20  }
0x1e: {  	s18 =	sor.u32 @!p1 s19, s18;
	s17 =	sor.u32 @!p1 s17, s20;
	s19 =	sshll.u32 @!p1 s11, $0xE  }
0x1f: {  	s20 =	sshll.u32 @!p1 s10, $0xB;
	s18 =	sshrl.u32 @!p1 s18, $0x3;
	s19 =	sadd.s32 @!p1 s2, s19  }
0x20: {  	s17 =	sshrl.u32 @!p1 s17, $0x3;
	s19 =	sadd.s32 @!p1 s20, s19;
	s20 =	sand.u32 @!p1 $0x7, s8  }
0x21: {  	s18 =	sand.u32 @!p1 $0x7C0, s18;
	s17 =	sadd.s32 @!p1 s17, s19;
	s19 =	sshll.u32 @!p1 s20, $0x12  }
0x22: {  	s17 =	sadd.s32 @!p1 s18, s17;
	s18 =	sor.u32 @!p1 $0x400, s19;
	s19 =	simm.s32 @!p1 $0x1000  }
0x23: {  	[tilespmem:s16], [sflag:$0x1] =	stream.strided.gather @!p1 [hbm4b:s17+s18], $0x4000, s19, s18, $0x38;
	[tilespmem:$0x10000] =	vst v63  }
0x24: {  	p1 =	seq.s32 s7, $0x0  }
0x25: {  	p2 =	seq.s32 @!p1 s7, $0x21  }
0x26: {  	p1 =	por p1, p2  }
.Ltmp2:
0x27: {  	_ = 	snop;
	(pc) =	sbr.rel @p1 .LBB1_7-.Ltmp2, $1  }
0x28: {  	_ =	sdelay $0x3  }
0x29: {  	s16 =	simm.s32 $0x1;
	_ =	swait.ge [sflag:s4], $0x4000;
	s19 =	sshll.u32 s7, $0xE  }
0x2a: {  	s16 =	simm.s32 @!p0 $0x0;
	[sflag:s4] =	ssyncset.done $0x0;
	s31 =	sand.u32 $0x4000, s19  }
0x2b: {  	s19 =	simm.s32 $0x0;
	s16 =	sshll.u32 s16, $0xE;
	[sflag:s4] =	ssyncadd.s32 $0xFFFFC000  }
0x2c: {  	s17 =	sor.u32 $0x8040, s16;
	s18 =	sor.u32 $0x40, s16;
	s16 =	sor.u32 $0x8000, s31  }
.LBB1_3:
0x2d: {  	v0 =	vmov s18;
	_ =	sdelay $0x3  }
0x2e: {  	s21 =	simm.s32 $0x0  }
0x2f: {  	v6 =	vld.idx.msk [tilespmem:v0+s21+$0x30 ss:$0x1], $0xffff  }
0x30: {  	v7 =	vld.idx.msk [tilespmem:v0+s21+$0xFFFFFFC0 ss:$0x1], $0xffff  }
0x31: {  	v5 =	vld.idx.msk [tilespmem:v0+s21+$0xFFFFFFD0 ss:$0x1], $0xffff  }
0x32: {  	v4 =	vld.idx.msk [tilespmem:v0+s21+$0xFFFFFFE0 ss:$0x1], $0xffff  }
0x33: {  	v3 =	vld.idx.msk [tilespmem:v0+s21+$0xFFFFFFF0 ss:$0x1], $0xffff  }
0x34: {  	v1 =	vld.idx.msk [tilespmem:v0+s21+$0x0 ss:$0x1], $0xffff  }
0x35: {  	v2 =	vld.idx.msk [tilespmem:v0+s21+$0x10 ss:$0x1], $0xffff;
	[tilespmem:s17+$0x30] =	vst v6  }
0x36: {  	s20 =	simm.s32 $0x80;
	s22 =	simm.s32 $0x400;
	[tilespmem:s17+$0xFFFFFFC0] =	vst v7;
	v6 =	vld.idx.msk [tilespmem:v0+s21+$0x20 ss:$0x1], $0xffff;
	s21 =	smov.u32 s17  }
.LBB1_4:
0x37: {  	p1 =	sne.s32 s22, $0x3E00;
	v7 =	vld.idx.msk [tilespmem:v0+s20+$0x30 ss:$0x1], $0xffff;
	[tilespmem:s21+$0xFFFFFFD0] =	vst v5  }
0x38: {  	v8 =	vld.idx.msk [tilespmem:v0+s20+$0xFFFFFFC0 ss:$0x1], $0xffff;
	[tilespmem:s21+$0xFFFFFFE0] =	vst v4  }
0x39: {  	v5 =	vld.idx.msk [tilespmem:v0+s20+$0xFFFFFFD0 ss:$0x1], $0xffff;
	[tilespmem:s21+$0xFFFFFFF0] =	vst v3  }
.Ltmp3:
0x3a: {  	v4 =	vld.idx.msk [tilespmem:v0+s20+$0xFFFFFFE0 ss:$0x1], $0xffff;
	[tilespmem:s21+$0x0] =	vst v1;
	(pc) =	sbr.rel @p1 .LBB1_4-.Ltmp3, $4  }
0x3b: {  	v3 =	vld.idx.msk [tilespmem:v0+s20+$0xFFFFFFF0 ss:$0x1], $0xffff;
	[tilespmem:s21+$0x10] =	vst v2  }
0x3c: {  	v1 =	vld.idx.msk [tilespmem:v0+s20+$0x0 ss:$0x1], $0xffff;
	[tilespmem:s21+$0x20] =	vst v6;
	s21 =	sadd.s32 $0x200, s21  }
0x3d: {  	v2 =	vld.idx.msk [tilespmem:v0+s20+$0x10 ss:$0x1], $0xffff;
	[tilespmem:s21+$0x30] =	vst v7  }
0x3e: {  	[tilespmem:s21+$0xFFFFFFC0] =	vst v8;
	v6 =	vld.idx.msk [tilespmem:v0+s20+$0x20 ss:$0x1], $0xffff;
	s20 =	sshra.s32 s22, $0x2;
	s22 =	sadd.s32 $0x200, s22  }
0x3f: {  	_ =	sdelay $0x2  }
0x40: {  	[tilespmem:s21+$0xFFFFFFD0] =	vst v5  }
0x41: {  	v56 =	vld.idx.msk [tilespmem:v0+s20+$0x30 ss:$0x1], $0xffff;
	[tilespmem:s21+$0xFFFFFFE0] =	vst v4  }
0x42: {  	v57 =	vld.idx.msk [tilespmem:v0+s20+$0xFFFFFFC0 ss:$0x1], $0xffff;
	[tilespmem:s21+$0xFFFFFFF0] =	vst v3  }
0x43: {  	v58 =	vld.idx.msk [tilespmem:v0+s20+$0xFFFFFFD0 ss:$0x1], $0xffff;
	[tilespmem:s21+$0x0] =	vst v1  }
0x44: {  	v59 =	vld.idx.msk [tilespmem:v0+s20+$0xFFFFFFE0 ss:$0x1], $0xffff;
	[tilespmem:s21+$0x10] =	vst v2  }
0x45: {  	v60 =	vld.idx.msk [tilespmem:v0+s20+$0xFFFFFFF0 ss:$0x1], $0xffff;
	s31 =	sadd.s32 $0x200, s21;
	[tilespmem:s21+$0x20] =	vst v6  }
0x46: {  	v61 =	vld.idx.msk [tilespmem:v0+s20+$0x0 ss:$0x1], $0xffff;
	[tilespmem:s31+$0x30] =	vst v56  }
0x47: {  	v62 =	vld.idx.msk [tilespmem:v0+s20+$0x10 ss:$0x1], $0xffff;
	s19 =	sadd.s32 $0x1, s19;
	[tilespmem:s31+$0xFFFFFFC0] =	vst v57  }
0x48: {  	v63 =	vld.idx.msk [tilespmem:v0+s20+$0x20 ss:$0x1], $0xffff;
	p1 =	sne.s32 s19, $0x4;
	[tilespmem:s31+$0xFFFFFFD0] =	vst v58  }
.Ltmp4:
0x49: {  	[tilespmem:s31+$0xFFFFFFE0] =	vst v59;
	(pc) =	sbr.rel @p1 .LBB1_3-.Ltmp4, $4  }
0x4a: {  	[tilespmem:s31+$0xFFFFFFF0] =	vst v60  }
0x4b: {  	[tilespmem:s31+$0x0] =	vst v61  }
0x4c: {  	[tilespmem:s31+$0x10] =	vst v62  }
0x4d: {  	s17 =	sadd.s32 $0x80, s17;
	s18 =	sadd.s32 $0x1000, s18;
	[tilespmem:s31+$0x20] =	vst v63  }
0x4e: {  	s17 =	sshll.u32 s12, $0x3;
	s15 =	sshll.u32 s15, $0x7;
	s18 =	sand.u32 $0x78, s12  }
0x4f: {  	s14 =	sshll.u32 s14, $0xE;
	s13 =	sshll.u32 s13, $0x9;
	s15 =	sand.u32 $0x380, s15  }
.Ltmp5:
0x50: {  	s17 =	sand.u32 $0xC00, s17;
	s15 =	sor.u32 s18, s15;
	(pc) =	sbr.rel .LBB1_7-.Ltmp5, $4  }
0x51: {  	s31 =	sand.u32 $0x7, s12;
	s14 =	sadd.s32 s3, s14;
	s15 =	sor.u32 s17, s15  }
0x52: {  	s12 =	sshll.u32 s31, $0x12;
	s13 =	sadd.s32 s13, s14;
	s15 =	sshrl.u32 s15, $0x3  }
0x53: {  	s12 =	sor.u32 $0x200, s12;
	s13 =	sadd.s32 s15, s13  }
0x54: {  	[hbm4b:s13+s12] =	stream.strided.scatter [tilespmem:s16], [sflag:$0x2], $0x4000, s6, s12, $0x38;
	[tilespmem:$0x10000] =	vst v63  }
.LBB1_8:
0x55: {  	_ =	sfence.sel $0x180000  }
0x56: {  	s2 =	simm.s32 $0x1;
	[bflag:$0x0] =	sbarrier.arrive $0xFFFF  }
0x57: {  	s31 =	simm.s32 $0x2;
	[sflag:s2] =	ssyncpa.u1 $0x1  }
0x58: {  	[sflag:s31] =	ssyncpa.u1 $0x1  }
0x59: {  	p0 =	sne.s32 s1, $0x0;
	_ =	strace $0x90000047  }
0x5a: {  	s0 =	sadd.s32 @!p0 $0x100000, s0;
	[bflag:$0x2] =	sbarrier.arrive $0xFFFF  }
0x5b: {  	[sflag:s0] =	ssyncadd.tile.s32 @!p0 $0x1;
	_ =	shalt  }
.Lfunc_end1:
_tile_overlayer_lowered:
.L_overlay_start_2:
0x5c: {  	(tag) =	ssettag $0x2  }
0x5d: {  	s0 =	rddreg [dreg:$0x0];
	s2 =	stileid.u32  }
0x5e: {  	s1 =	rddreg [dreg:$0x1];
	p0 =	sne.s32 s2, $0x0  }
0x5f: {  	s3 =	rddreg [dreg:$0x2];
	[bflag:$0x3] =	sbarrier.arrive $0xFFFF;
	s2 =	simm.s32 @!p0 $0x1C01  }
0x60: {  	[timem:s3], [sflag:s2] =	dma.local @!p0 [hbm:s0], s1  }
0x61: {  	s0 =	simm.s32 @!p0 $0x1  }
0x62: {  	_ =	swait.ge @!p0 [sflag:s0], s1  }
0x63: {  	s1 =	ssub.s32 @!p0 $0x0, s1;
	[sflag:s0] =	ssyncset.done @!p0 $0x0  }
0x64: {  	[sflag:s0] =	ssyncadd.s32 @!p0 s1  }
0x65: {  	[bflag:$0x3] =	sbarrier.arrive $0xFFFF  }
0x66: {  	_ =	shalt  }

</sc_bundles>
